<compile_context>
chip_gen: v7x
topology: tpu7x:2x2x1
jax: 0.10.2.dev20260603
libtpu: 0.0.44.dev20260713+nightly
codegen_flags: <defaults>
</compile_context>

<pallas_src>
import functools

import jax
import jax.numpy as jnp
from jax import lax
from jax.experimental import pallas as pl
from jax.experimental.pallas import tpu as pltpu
from jax.experimental.pallas import tpu_sc as plsc

N = 10000
E = 320000
D = 128
H = 128
B = 64
DA = 128
RIR_LEN = 3968
SR = 16000.0
SOUND_SPEED = 343.0
HALF_WIN = 40
FW = 144

NC, NS = 2, 16
NW = NC * NS
EPT = E // NW
CH = 128
NCHUNK = EPT // CH
CHT = EPT - NCHUNK * CH
NP2 = 10240
ROWS_PT = NP2 // NS
ROW_STEP = 160
RB = 1000
NGRID = N // RB
RBB = 1024
NGRIDB = NP2 // RBB


def _h1_body(x_ref, w1_ref, o_ref):
    h = jnp.dot(x_ref[...], w1_ref[...], preferred_element_type=jnp.float32)
    o_ref[...] = jnp.maximum(h, 0.0)


def _h1_table(x, w1):
    return pl.pallas_call(
        _h1_body,
        grid=(NGRID,),
        in_specs=[
            pl.BlockSpec((RB, D), lambda i: (i, 0)),
            pl.BlockSpec((D, H), lambda i: (0, 0)),
        ],
        out_specs=pl.BlockSpec((RB, DA), lambda i: (i, 0)),
        out_shape=jax.ShapeDtypeStruct((N, DA), jnp.float32),
    )(x, w1)


def _make_sc_agg():
    mesh = plsc.VectorSubcoreMesh(core_axis_name="c", subcore_axis_name="s")

    @functools.partial(
        pl.kernel,
        mesh=mesh,
        out_type=[
            jax.ShapeDtypeStruct((NC, NP2, DA), jnp.float32),
            jax.ShapeDtypeStruct((NW * NP2,), jnp.float32),
        ],
        scratch_types=[
            pltpu.VMEM((CH,), jnp.int32),
            pltpu.VMEM((CH,), jnp.int32),
            pltpu.VMEM((CHT,), jnp.int32),
            pltpu.VMEM((CHT,), jnp.int32),
            pltpu.VMEM((CH, DA), jnp.float32),
            pltpu.VMEM((ROW_STEP, DA), jnp.float32),
            pltpu.VMEM((NP2,), jnp.float32),
            pltpu.VMEM_SHARED((NP2, DA), jnp.float32),
            pltpu.SemaphoreType.DMA,
        ],
    )
    def sc_agg(tab_hbm, epk_hbm, e0_hbm,
               agg_out, deg_out,
               src_c, dst_c, src_t, dst_t, rows_v, stage_v, deg_v,
               agg_sh, sem):
        c = lax.axis_index("c")
        s = lax.axis_index("s")
        wid = c * NS + s
        e0_v = rows_v.at[0, pl.ds(0, 16)]
        pltpu.sync_copy(e0_hbm, e0_v)
        e0 = e0_v[...]
        zv = e0 - e0
        def zrow(i, carry):
            r = i // (DA // 16)
            q = i % (DA // 16)
            stage_v[r, pl.ds(q * 16, 16)] = zv
            return carry

        lax.fori_loop(0, ROW_STEP * (DA // 16), zrow, 0)
        for k in range(ROWS_PT // ROW_STEP):
            pltpu.sync_copy(
                stage_v, agg_sh.at[pl.ds(s * ROWS_PT + k * ROW_STEP, ROW_STEP)])

        def zdeg(i, carry):
            deg_v[pl.ds(i * 16, 16)] = zv
            return carry

        lax.fori_loop(0, NP2 // 16, zdeg, 0)
        plsc.subcore_barrier()

        def chunk(i, carry):
            base = wid * EPT + i * CH
            pltpu.sync_copy(epk_hbm.at[pl.ds(base, CH)], dst_c)

            def upk(g, c3):
                v = dst_c[pl.ds(g * 16, 16)]
                src_c[pl.ds(g * 16, 16)] = v & 0xFFFF
                dst_c[pl.ds(g * 16, 16)] = v >> 16
                return c3

            lax.fori_loop(0, CH // 16, upk, 0)
            pltpu.async_copy(tab_hbm.at[src_c], rows_v, sem).wait()
            pltpu.sync_copy(rows_v, agg_sh.at[dst_c], add=True)

            def dgrp(g, c2):
                v = dst_c[pl.ds(g * 16, 16)]
                for q in range(16):
                    plsc.addupdate(deg_v.at[pl.ds(v[q], 16)], e0)
                return c2

            lax.fori_loop(0, CH // 16, dgrp, 0)
            return carry

        lax.fori_loop(0, NCHUNK, chunk, 0)
        tbase = wid * EPT + NCHUNK * CH
        pltpu.sync_copy(epk_hbm.at[pl.ds(tbase, CHT)], dst_t)
        vt = dst_t[...]
        src_t[...] = vt & 0xFFFF
        dst_t[...] = vt >> 16
        pltpu.async_copy(tab_hbm.at[src_t],
                         rows_v.at[pl.ds(0, CHT)], sem).wait()
        pltpu.sync_copy(rows_v.at[pl.ds(0, CHT)], agg_sh.at[dst_t], add=True)
        for q in range(CHT):
            plsc.addupdate(deg_v.at[pl.ds(vt[q] >> 16, 16)], e0)
        plsc.subcore_barrier()
        for k in range(ROWS_PT // ROW_STEP):
            r0 = s * ROWS_PT + k * ROW_STEP
            pltpu.sync_copy(agg_sh.at[pl.ds(r0, ROW_STEP)], stage_v)
            pltpu.sync_copy(stage_v, agg_out.at[c, pl.ds(r0, ROW_STEP)])
        pltpu.sync_copy(deg_v, deg_out.at[pl.ds(wid * NP2, NP2)])

    return sc_agg


_sc_agg_built = None


def _sc_agg(tab, epk, e0):
    global _sc_agg_built
    if _sc_agg_built is None:
        _sc_agg_built = _make_sc_agg()
    return _sc_agg_built(tab, epk, e0)


def _pool_body(sc_ref, d_ref, b_ref, w2_ref, ms_ref, w3_ref, b3_ref, mo_ref,
               noise_ref, rir_ref, ints_ref, flts_ref, pooled_ref, cnt_ref):
    i = pl.program_id(0)

    @pl.when(i == 0)
    def _init():
        pooled_ref[...] = jnp.zeros_like(pooled_ref)
        cnt_ref[...] = jnp.zeros_like(cnt_ref)

    agg = sc_ref[0] + sc_ref[1]
    drow = jnp.sum(d_ref[...], axis=0, keepdims=True)
    eye = (lax.broadcasted_iota(jnp.int32, (RBB, RBB), 0)
           == lax.broadcasted_iota(jnp.int32, (RBB, RBB), 1))
    dcol = lax.dot_general(eye.astype(jnp.float32), drow,
                           (((1,), (1,)), ((), ())),
                           precision=lax.Precision.HIGHEST,
                           preferred_element_type=jnp.float32)
    hin = agg / jnp.maximum(dcol, 1.0)
    h2 = jnp.dot(hin, w2_ref[...], preferred_element_type=jnp.float32)
    h2 = jnp.maximum(h2, 0.0)
    bidx = b_ref[0, 0, :]
    oh = (lax.broadcasted_iota(jnp.int32, (B, RBB), 0) == bidx[None, :])
    oh = oh.astype(jnp.float32)
    pooled_ref[...] += jnp.dot(oh, h2, precision=lax.Precision.HIGHEST,
                               preferred_element_type=jnp.float32)
    cnt_ref[...] += jnp.sum(oh, axis=1, keepdims=True)

    @pl.when(i == NGRIDB - 1)
    def _head():
        pm = pooled_ref[...] / jnp.maximum(cnt_ref[...], 1.0)
        feat = jnp.concatenate(
            [pm, ms_ref[...], jnp.zeros((B, FW - D - 6), jnp.float32)], axis=1)
        z = jnp.dot(feat, w3_ref[...], preferred_element_type=jnp.float32)
        z = z + b3_ref[...]
        sig = 1.0 / (1.0 + jnp.exp(-z))
        room = 2.0 + 8.0 * sig[:, :3]
        rest = sig[:, 3:]
        micp = rest[:, 0:3] * room
        srcp = rest[:, 3:6] * room
        beta = rest[:, 6:7]
        dvec = micp - srcp
        dist = jnp.sqrt(jnp.sum(dvec * dvec, axis=1, keepdims=True)) + 1e-3
        delay = dist / SOUND_SPEED * SR
        origin = jnp.floor(delay).astype(jnp.int32) + HALF_WIN
        rt60 = 0.2 + 0.8 * beta
        decay = 6.907755 / (rt60 * SR)
        t = lax.broadcasted_iota(jnp.int32, (B, RIR_LEN), 1).astype(jnp.float32)
        rel = t - origin.astype(jnp.float32)
        env = jnp.where(rel >= 0.0, jnp.exp(-decay * rel), 0.0)
        rir_ref[...] = env * noise_ref[...] / dist

        vol = room[:, 0:1] * room[:, 1:2] * room[:, 2:3]
        mix = jnp.floor(0.002 * jnp.sqrt(vol) * SR).astype(jnp.int32)
        so = jnp.maximum(origin - HALF_WIN, 0)
        mo = jnp.maximum(mo_ref[...] - HALF_WIN, 0)
        until = jnp.minimum(RIR_LEN - so, RIR_LEN - mo)
        cond = (until > mix).astype(jnp.int32)
        ramp = jnp.minimum(until - mix, 200)
        ints_ref[...] = jnp.concatenate(
            [so, mo, mix, ramp, until, cond, jnp.zeros((B, 10), jnp.int32)],
            axis=1)
        inv_denom = 1.0 / jnp.maximum(ramp - 1, 1).astype(jnp.float32)
        flts_ref[...] = jnp.concatenate(
            [inv_denom, jnp.zeros((B, 15), jnp.float32)], axis=1)


def _pool_head(parts, deg3, batch3, w2, ms, w3p, b3r, mo_raw, noise):
    return pl.pallas_call(
        _pool_body,
        grid=(NGRIDB,),
        in_specs=[
            pl.BlockSpec((NC, RBB, DA), lambda i: (0, i, 0)),
            pl.BlockSpec((NW, RBB), lambda i: (0, i)),
            pl.BlockSpec((1, 1, RBB), lambda i: (i, 0, 0)),
            pl.BlockSpec((H, H), lambda i: (0, 0)),
            pl.BlockSpec((B, 6), lambda i: (0, 0)),
            pl.BlockSpec((FW, 10), lambda i: (0, 0)),
            pl.BlockSpec((1, 10), lambda i: (0, 0)),
            pl.BlockSpec((B, 1), lambda i: (0, 0)),
            pl.BlockSpec((B, RIR_LEN), lambda i: (0, 0)),
        ],
        out_specs=[
            pl.BlockSpec((B, RIR_LEN), lambda i: (0, 0)),
            pl.BlockSpec((B, 16), lambda i: (0, 0)),
            pl.BlockSpec((B, 16), lambda i: (0, 0)),
        ],
        out_shape=[
            jax.ShapeDtypeStruct((B, RIR_LEN), jnp.float32),
            jax.ShapeDtypeStruct((B, 16), jnp.int32),
            jax.ShapeDtypeStruct((B, 16), jnp.float32),
        ],
        scratch_shapes=[
            pltpu.VMEM((B, H), jnp.float32),
            pltpu.VMEM((B, 1), jnp.float32),
        ],
    )(parts, deg3, batch3, w2, ms, w3p, b3r, mo_raw, noise)


PLEN = 8192
AW = 4224


def _c2_body(ints_ref, flts_ref, rir_ref, p_ref, out_ref):
    def row(i, carry):
        so = ints_ref[i, 0]
        mo = ints_ref[i, 1]
        mix = ints_ref[i, 2]
        ramp = ints_ref[i, 3]
        until = ints_ref[i, 4]
        cond = ints_ref[i, 5]
        inv_denom = flts_ref[i, 0]
        start = mo - so + RIR_LEN
        a0 = start // 128
        start128 = pl.multiple_of(a0 * 128, 128)
        bsh = start - start128
        av = p_ref[pl.ds(i, 1), pl.ds(start128, AW)]
        mesh_val = pltpu.roll(av, AW - bsh, 1)[:, :RIR_LEN]
        rirr = rir_ref[pl.ds(i, 1), :]
        j = lax.broadcasted_iota(jnp.int32, (1, RIR_LEN), 1)
        rel = j - so
        frac = (rel - mix).astype(jnp.float32) * inv_denom
        in_ramp = (rel >= mix) & (rel < mix + ramp)
        in_tail = (rel >= mix + ramp) & (rel < until)
        cand = jnp.where(in_ramp, rirr * (1.0 - frac) + mesh_val * frac,
                         jnp.where(in_tail, mesh_val, rirr))
        out_ref[pl.ds(i, 1), :] = jnp.where(cond > 0, cand, rirr)
        return carry

    lax.fori_loop(0, B, row, 0)


def _c2(ints, flts, rir, pmesh):
    return pl.pallas_call(
        _c2_body,
        in_specs=[
            pl.BlockSpec(memory_space=pltpu.SMEM),
            pl.BlockSpec(memory_space=pltpu.SMEM),
            pl.BlockSpec((B, RIR_LEN), lambda: (0, 0)),
            pl.BlockSpec((B, PLEN), lambda: (0, 0)),
        ],
        out_specs=pl.BlockSpec((B, RIR_LEN), lambda: (0, 0)),
        out_shape=jax.ShapeDtypeStruct((B, RIR_LEN), jnp.float32),
    )(ints, flts, rir, pmesh)


def kernel(x, edge_index, batch, batch_oracle_mic_pos, batch_oracle_src_pos,
           mesh2ir_estimated_rir_batch, mesh2ir_estimated_origin_batch,
           W1, W2, W3, b3):
    ei = edge_index.astype(jnp.int32)
    epk = (ei[1] << 16) | ei[0]

    tab = _h1_table(x, W1)
    e0 = jnp.zeros((16,), jnp.float32).at[0].set(1.0)
    parts, degflat = _sc_agg(tab, epk, e0)
    deg3 = degflat.reshape(NW, NP2)

    batch_pad = jnp.concatenate(
        [batch.astype(jnp.int32), jnp.full((NP2 - N,), B, jnp.int32)])
    batch3 = batch_pad.reshape(NGRIDB, 1, RBB)
    ms = jnp.concatenate([batch_oracle_mic_pos, batch_oracle_src_pos], axis=1)
    w3p = jnp.concatenate(
        [W3, jnp.zeros((FW - W3.shape[0], W3.shape[1]), W3.dtype)], axis=0)
    b3r = b3.reshape(1, -1)
    mo_raw = mesh2ir_estimated_origin_batch.astype(jnp.int32).reshape(B, 1)
    tn = jnp.arange(RIR_LEN, dtype=jnp.float32)[None, :]
    noise = jnp.sin((tn + 1.0) * 12.9898
                    + jnp.arange(B, dtype=jnp.float32)[:, None] * 78.233)
    noise = noise * 43758.5453
    noise = 2.0 * (noise - jnp.floor(noise)) - 1.0
    rir, ints, flts = _pool_head(parts, deg3, batch3, W2, ms, w3p, b3r,
                                 mo_raw, noise)

    mrow = mesh2ir_estimated_rir_batch[:, :RIR_LEN]
    pmesh = jnp.concatenate(
        [jnp.broadcast_to(mrow[:, :1], (B, RIR_LEN)), mrow,
         jnp.broadcast_to(mrow[:, -1:], (B, PLEN - 2 * RIR_LEN))], axis=1)
    mixed = _c2(ints, flts, rir, pmesh)

    out_origin = jnp.full((B,), HALF_WIN, jnp.int32)
    return mixed, out_origin

# --- scband reference (transcript-rebuilt; emitter-appended) ---
"""Pipeline reference for scband-rirbox-mesh2-ir-hybrid-10960756540042 (READ-ONLY COPY).

The authoritative reference and input builder live on the scoring server;
editing this copy changes nothing except your own understanding.
"""

import jax, jax.numpy as jnp
import numpy as np

RIR_LEN = 3968
SR = 16000.0
SOUND_SPEED = 343.0
WINDOW = 81


def setup_inputs(seed: int = 0) -> dict:
    key = jax.random.key(seed)
    ks = jax.random.split(key, 12)
    N, E, D, H, B = 10000, 320000, 128, 128, 64
    x = jax.random.normal(ks[0], (N, D), dtype=jnp.float32)
    edge_index = jax.random.randint(ks[1], (2, E), 0, N, dtype=jnp.int64)
    batch = jnp.sort(jax.random.randint(ks[2], (N,), 0, B, dtype=jnp.int64))
    batch_oracle_mic_pos = jax.random.uniform(ks[3], (B, 3), dtype=jnp.float32)
    batch_oracle_src_pos = jax.random.uniform(ks[4], (B, 3), dtype=jnp.float32)
    mesh2ir_estimated_rir_batch = jax.random.normal(ks[5], (B, 4096), dtype=jnp.float32)
    mesh2ir_estimated_origin_batch = jax.random.randint(ks[6], (B,), 0, 100, dtype=jnp.int64)
    W1 = jax.random.normal(ks[7], (D, H), dtype=jnp.float32) * 0.05
    W2 = jax.random.normal(ks[8], (H, H), dtype=jnp.float32) * 0.05
    W3 = jax.random.normal(ks[9], (H + 6, 10), dtype=jnp.float32) * 0.05
    b3 = jnp.zeros((10,), dtype=jnp.float32)
    return {"x": x, "edge_index": edge_index, "batch": batch,
            "batch_oracle_mic_pos": batch_oracle_mic_pos,
            "batch_oracle_src_pos": batch_oracle_src_pos,
            "mesh2ir_estimated_rir_batch": mesh2ir_estimated_rir_batch,
            "mesh2ir_estimated_origin_batch": mesh2ir_estimated_origin_batch,
            "W1": W1, "W2": W2, "W3": W3, "b3": b3}


def _mesh_to_sbox(x, edge_index, batch, mic, src, W1, W2, W3, b3):
    N = x.shape[0]
    B = mic.shape[0]
    src_n = edge_index[0]
    dst_n = edge_index[1]
    h = jax.nn.relu(x @ W1)
    agg = jax.ops.segment_sum(h[src_n], dst_n, num_segments=N)
    deg = jax.ops.segment_sum(jnp.ones((edge_index.shape[1],), h.dtype), dst_n, num_segments=N)
    h = jax.nn.relu((agg / jnp.maximum(deg, 1.0)[:, None]) @ W2)
    pooled = jax.ops.segment_sum(h, batch, num_segments=B)
    cnt = jax.ops.segment_sum(jnp.ones((N,), h.dtype), batch, num_segments=B)
    pooled = pooled / jnp.maximum(cnt, 1.0)[:, None]
    feat = jnp.concatenate([pooled, mic, src], axis=1)
    z = feat @ W3 + b3
    room = 2.0 + 8.0 * jax.nn.sigmoid(z[:, :3])
    rest = jax.nn.sigmoid(z[:, 3:])
    return jnp.concatenate([room, rest], axis=1)


def _sbox_to_rir(latent):
    B = latent.shape[0]
    room = latent[:, :3]
    micp = latent[:, 3:6] * room
    srcp = latent[:, 6:9] * room
    beta = latent[:, 9]
    dist = jnp.linalg.norm(micp - srcp, axis=1) + 1e-3
    delay = dist / SOUND_SPEED * SR
    origin = jnp.floor(delay).astype(jnp.int32) + WINDOW // 2
    t = jnp.arange(RIR_LEN, dtype=jnp.float32)[None, :]
    rel = t - origin[:, None].astype(jnp.float32)
    rt60 = 0.2 + 0.8 * beta
    decay = 6.907755 / (rt60 * SR)
    noise = jnp.sin((t + 1.0) * 12.9898 + jnp.arange(B, dtype=jnp.float32)[:, None] * 78.233) * 43758.5453
    noise = 2.0 * (noise - jnp.floor(noise)) - 1.0
    env = jnp.where(rel >= 0.0, jnp.exp(-decay[:, None] * rel), 0.0)
    rir = env * noise / dist[:, None]
    return rir, origin


def reference(x, edge_index, batch, batch_oracle_mic_pos, batch_oracle_src_pos,
              mesh2ir_estimated_rir_batch, mesh2ir_estimated_origin_batch,
              W1, W2, W3, b3):
    B = batch_oracle_mic_pos.shape[0]
    latent = _mesh_to_sbox(x, edge_index, batch, batch_oracle_mic_pos, batch_oracle_src_pos, W1, W2, W3, b3)
    rir, s_orig = _sbox_to_rir(latent)
    mesh_rir = mesh2ir_estimated_rir_batch[:, 0:RIR_LEN]
    vol = jnp.prod(latent[:, 0:3], axis=1)
    mix = jnp.floor(0.002 * jnp.sqrt(vol) * SR).astype(jnp.int32)
    so = jnp.maximum(s_orig - WINDOW // 2, 0)
    mo = jnp.maximum(mesh2ir_estimated_origin_batch.astype(jnp.int32) - WINDOW // 2, 0)
    until = jnp.minimum(RIR_LEN - so, RIR_LEN - mo)
    cond = until > mix
    ramp = jnp.minimum(until - mix, 200)
    j = jnp.arange(RIR_LEN, dtype=jnp.int32)[None, :]
    rel = j - so[:, None]
    k_mesh = jnp.clip(mo[:, None] + rel, 0, RIR_LEN - 1)
    mesh_val = jnp.take_along_axis(mesh_rir, k_mesh, axis=1)
    denom = jnp.maximum(ramp - 1, 1).astype(jnp.float32)[:, None]
    frac = (rel - mix[:, None]).astype(jnp.float32) / denom
    down = 1.0 - frac
    up = frac
    in_ramp = (rel >= mix[:, None]) & (rel < (mix + ramp)[:, None])
    in_tail = (rel >= (mix + ramp)[:, None]) & (rel < until[:, None])
    cand = jnp.where(in_ramp, rir * down + mesh_val * up, jnp.where(in_tail, mesh_val, rir))
    mixed = jnp.where(cond[:, None], cand, rir)
    out_origin = jnp.full((B,), WINDOW // 2, dtype=jnp.int32)
    return mixed, out_origin

if __name__ == "__main__":
    import jax
    _d = setup_inputs()
    print(jax.jit(kernel)(*tuple(_d.values())))

</pallas_src>

<mosaic_0001>
#map = affine_map<(d0, d1) -> (0, 0)>
#map1 = affine_map<(d0, d1) -> (0)>
#map2 = affine_map<(d0, d1) -> (0, 0, 0)>
module attributes {stable_mosaic.version = 14 : i64} {
  func.func @sc_agg(%arg0: i32, %arg1: i32, %arg2: memref<10000x128xf32, #tpu.memory_space<hbm>>, %arg3: memref<320000xi32, #tpu.memory_space<hbm>>, %arg4: memref<16xf32, #tpu.memory_space<hbm>>, %arg5: memref<2x10240x128xf32, #tpu.memory_space<hbm>>, %arg6: memref<327680xf32, #tpu.memory_space<hbm>>, %arg7: memref<128xi32, #tpu.memory_space<vmem>>, %arg8: memref<128xi32, #tpu.memory_space<vmem>>, %arg9: memref<16xi32, #tpu.memory_space<vmem>>, %arg10: memref<16xi32, #tpu.memory_space<vmem>>, %arg11: memref<128x128xf32, #tpu.memory_space<vmem>>, %arg12: memref<160x128xf32, #tpu.memory_space<vmem>>, %arg13: memref<10240xf32, #tpu.memory_space<vmem>>, %arg14: memref<10240x128xf32, #tpu.memory_space<vmem_shared>>, %arg15: memref<!tpu.dma_semaphore, #tpu.memory_space<semaphore_mem>>) attributes {dimension_semantics = [#tpu.dimension_semantics<core_parallel>, #tpu.dimension_semantics<subcore_parallel>], iteration_bounds = array<i64: 2, 16>, scalar_prefetch = 0 : i64, scratch_operands = 9 : i64, tpu.core_type = #tpu.core_type<sc_vector_subcore>, window_params = [{transform_indices = #map}, {transform_indices = #map1}, {transform_indices = #map1}, {transform_indices = #map2}, {transform_indices = #map1}]} {
    %mul3A = arith.constant 16 : i32
    %mul3A_0 = arith.muli %arg0, %mul3A : i32
    %add3A = arith.addi %mul3A_0, %arg1 : i32
    %run_scoped3A = arith.constant 0 : i32
    "tpu.region"() ({
      %run_scoped3A_211 = tpu.sem_alloc : memref<!tpu.dma_semaphore, #tpu.memory_space<semaphore_mem>>
      %dma_start3A_212 = arith.constant 0 : i32
      %dma_start3A_213 = tpu.memref_slice %arg11[%run_scoped3A, %dma_start3A_212] : memref<128x128xf32, #tpu.memory_space<vmem>> -> memref<1x16xf32, #tpu.memory_space<vmem>>
      %dma_start3A_214 = tpu.memref_squeeze %dma_start3A_213 : memref<1x16xf32, #tpu.memory_space<vmem>> -> memref<16xf32, #tpu.memory_space<vmem>>
      %dma_start3A_215 = arith.constant 0 : i32
      %dma_start3A_216 = tpu.memref_slice %arg11[%run_scoped3A, %dma_start3A_215] : memref<128x128xf32, #tpu.memory_space<vmem>> -> memref<1x16xf32, #tpu.memory_space<vmem>>
      %dma_start3A_217 = tpu.memref_squeeze %dma_start3A_216 : memref<1x16xf32, #tpu.memory_space<vmem>> -> memref<16xf32, #tpu.memory_space<vmem>>
      tpu.enqueue_dma source(%arg4 : memref<16xf32, #tpu.memory_space<hbm>>) target(%dma_start3A_217 : memref<16xf32, #tpu.memory_space<vmem>>) target_semaphore(%run_scoped3A_211 : memref<!tpu.dma_semaphore, #tpu.memory_space<semaphore_mem>>)
      %dma_wait3A_218 = arith.constant 0 : i32
      %dma_wait3A_219 = tpu.memref_slice %arg11[%run_scoped3A, %dma_wait3A_218] : memref<128x128xf32, #tpu.memory_space<vmem>> -> memref<1x16xf32, #tpu.memory_space<vmem>>
      %dma_wait3A_220 = tpu.memref_squeeze %dma_wait3A_219 : memref<1x16xf32, #tpu.memory_space<vmem>> -> memref<16xf32, #tpu.memory_space<vmem>>
      %dma_wait3A_221 = arith.constant 0 : i32
      %dma_wait3A_222 = tpu.memref_slice %arg11[%run_scoped3A, %dma_wait3A_221] : memref<128x128xf32, #tpu.memory_space<vmem>> -> memref<1x16xf32, #tpu.memory_space<vmem>>
      %dma_wait3A_223 = tpu.memref_squeeze %dma_wait3A_222 : memref<1x16xf32, #tpu.memory_space<vmem>> -> memref<16xf32, #tpu.memory_space<vmem>>
      tpu.wait_dma2 semaphore(%run_scoped3A_211 : memref<!tpu.dma_semaphore, #tpu.memory_space<semaphore_mem>>) src(%arg4 : memref<16xf32, #tpu.memory_space<hbm>>) dst(%dma_wait3A_223 : memref<16xf32, #tpu.memory_space<vmem>>)
      tpu.yield
    }) : () -> ()
    %get3A = arith.constant 0 : i32
    %get3A_1 = arith.index_cast %get3A : i32 to index
    %get3A_2 = arith.constant 0 : index
    %get3A_3 = tpu.vector_load %arg11[%get3A_1, %get3A_2] {strides = array<i32>} : memref<128x128xf32, #tpu.memory_space<vmem>>, vector<1x16xf32>,
    %get3A_4 = vector.shape_cast %get3A_3 : vector<1x16xf32> to vector<16xf32>
    %sub3A = arith.subf %get3A_4, %get3A_4 : vector<16xf32>
    %scan3A = arith.constant 0 : i32
    %scan3A_5 = arith.constant 0 : i32
    %scan3A_6 = arith.constant 1280 : i32
    %scan3A_7 = arith.addi %scan3A_5, %scan3A_6 : i32
    %scan3A_8 = arith.constant 1 : i32
    scf.for %scan3A_211 = %scan3A_5 to %scan3A_7 step %scan3A_8  : i32 {
      %jit3A = arith.constant 8 : i32
      %div3A = arith.divsi %scan3A_211, %jit3A : i32
      %sign3A = arith.constant 0 : i32
      %sign3A_212 = arith.cmpi sgt, %scan3A_211, %sign3A : i32
      %sign3A_213 = arith.extui %sign3A_212 : i1 to i32
      %sign3A_214 = arith.constant 0 : i32
      %sign3A_215 = arith.cmpi slt, %scan3A_211, %sign3A_214 : i32
      %sign3A_216 = arith.extui %sign3A_215 : i1 to i32
      %sign3A_217 = arith.subi %sign3A_213, %sign3A_216 : i32
      %sign3A_218 = arith.constant 0 : i32
      %sign3A_219 = arith.cmpi sgt, %jit3A, %sign3A_218 : i32
      %sign3A_220 = arith.extui %sign3A_219 : i1 to i32
      %sign3A_221 = arith.constant 0 : i32
      %sign3A_222 = arith.cmpi slt, %jit3A, %sign3A_221 : i32
      %sign3A_223 = arith.extui %sign3A_222 : i1 to i32
      %sign3A_224 = arith.subi %sign3A_220, %sign3A_223 : i32
      %ne3A = arith.cmpi ne, %sign3A_217, %sign3A_224 : i32
      %rem3A = arith.remsi %scan3A_211, %jit3A : i32
      %ne3A_225 = arith.constant 0 : i32
      %ne3A_226 = arith.cmpi ne, %rem3A, %ne3A_225 : i32
      %and3A_227 = arith.andi %ne3A, %ne3A_226 : i1
      %sub3A_228 = arith.constant 1 : i32
      %sub3A_229 = arith.subi %div3A, %sub3A_228 : i32
      %select_n3A = arith.select %and3A_227, %sub3A_229, %div3A : i32
      %jit3A_230 = arith.constant 8 : i32
      %eq3A = arith.constant 0 : i32
      %eq3A_231 = arith.cmpi eq, %jit3A_230, %eq3A : i32
      %jit3A_232 = arith.constant 1 : i32
      %select_n3A_233 = arith.select %eq3A_231, %jit3A_232, %jit3A_230 : i32
      %rem3A_234 = arith.remsi %scan3A_211, %select_n3A_233 : i32
      %ne3A_235 = arith.constant 0 : i32
      %ne3A_236 = arith.cmpi ne, %rem3A_234, %ne3A_235 : i32
      %lt3A = arith.constant 0 : i32
      %lt3A_237 = arith.cmpi slt, %rem3A_234, %lt3A : i32
      %lt3A_238 = arith.constant 0 : i32
      %lt3A_239 = arith.cmpi slt, %select_n3A_233, %lt3A_238 : i32
      %ne3A_240 = arith.xori %lt3A_237, %lt3A_239 : i1
      %and3A_241 = arith.andi %ne3A_240, %ne3A_236 : i1
      %add3A_242 = arith.addi %rem3A_234, %select_n3A_233 : i32
      %select_n3A_243 = arith.select %and3A_241, %add3A_242, %rem3A_234 : i32
      %mul3A_244 = arith.constant 16 : i32
      %mul3A_245 = arith.muli %select_n3A_243, %mul3A_244 : i32
      %swap3A_246 = arith.index_cast %select_n3A : i32 to index
      %swap3A_247 = arith.index_cast %mul3A_245 : i32 to index
      %swap3A_248 = tpu.vector_load %arg12[%swap3A_246, %swap3A_247] {strides = array<i32>} : memref<160x128xf32, #tpu.memory_space<vmem>>, vector<1x16xf32>,
      %swap3A_249 = vector.shape_cast %swap3A_248 : vector<1x16xf32> to vector<16xf32>
      %swap3A_250 = vector.shape_cast %sub3A : vector<16xf32> to vector<1x16xf32>
      tpu.vector_store %arg12[%swap3A_246, %swap3A_247], %swap3A_250 {strides = array<i32>} : memref<160x128xf32, #tpu.memory_space<vmem>>, vector<1x16xf32>,
    }
    %scan3A_9 = arith.constant 1280 : i32
    %mul3A_10 = arith.constant 640 : i32
    %mul3A_11 = arith.muli %arg1, %mul3A_10 : i32
    %add3A_12 = arith.constant 0 : i32
    %add3A_13 = arith.addi %mul3A_11, %add3A_12 : i32
    "tpu.region"() ({
      %run_scoped3A_211 = tpu.sem_alloc : memref<!tpu.dma_semaphore, #tpu.memory_space<semaphore_mem>>
      %dma_start3A_212 = arith.constant 0 : i32
      %dma_start3A_213 = tpu.memref_slice %arg14[%add3A_13, %dma_start3A_212] : memref<10240x128xf32, #tpu.memory_space<vmem_shared>> -> memref<160x128xf32, #tpu.memory_space<vmem_shared>>
      %dma_start3A_214 = arith.constant 0 : i32
      %dma_start3A_215 = tpu.memref_slice %arg14[%add3A_13, %dma_start3A_214] : memref<10240x128xf32, #tpu.memory_space<vmem_shared>> -> memref<160x128xf32, #tpu.memory_space<vmem_shared>>
      tpu.enqueue_dma source(%arg12 : memref<160x128xf32, #tpu.memory_space<vmem>>) target(%dma_start3A_215 : memref<160x128xf32, #tpu.memory_space<vmem_shared>>) target_semaphore(%run_scoped3A_211 : memref<!tpu.dma_semaphore, #tpu.memory_space<semaphore_mem>>)
      %dma_wait3A_216 = arith.constant 0 : i32
      %dma_wait3A_217 = tpu.memref_slice %arg14[%add3A_13, %dma_wait3A_216] : memref<10240x128xf32, #tpu.memory_space<vmem_shared>> -> memref<160x128xf32, #tpu.memory_space<vmem_shared>>
      %dma_wait3A_218 = arith.constant 0 : i32
      %dma_wait3A_219 = tpu.memref_slice %arg14[%add3A_13, %dma_wait3A_218] : memref<10240x128xf32, #tpu.memory_space<vmem_shared>> -> memref<160x128xf32, #tpu.memory_space<vmem_shared>>
      tpu.wait_dma2 semaphore(%run_scoped3A_211 : memref<!tpu.dma_semaphore, #tpu.memory_space<semaphore_mem>>) src(%arg12 : memref<160x128xf32, #tpu.memory_space<vmem>>) dst(%dma_wait3A_219 : memref<160x128xf32, #tpu.memory_space<vmem_shared>>)
      tpu.yield
    }) : () -> ()
    %mul3A_14 = arith.constant 640 : i32
    %mul3A_15 = arith.muli %arg1, %mul3A_14 : i32
    %add3A_16 = arith.constant 160 : i32
    %add3A_17 = arith.addi %mul3A_15, %add3A_16 : i32
    "tpu.region"() ({
      %run_scoped3A_211 = tpu.sem_alloc : memref<!tpu.dma_semaphore, #tpu.memory_space<semaphore_mem>>
      %dma_start3A_212 = arith.constant 0 : i32
      %dma_start3A_213 = tpu.memref_slice %arg14[%add3A_17, %dma_start3A_212] : memref<10240x128xf32, #tpu.memory_space<vmem_shared>> -> memref<160x128xf32, #tpu.memory_space<vmem_shared>>
      %dma_start3A_214 = arith.constant 0 : i32
      %dma_start3A_215 = tpu.memref_slice %arg14[%add3A_17, %dma_start3A_214] : memref<10240x128xf32, #tpu.memory_space<vmem_shared>> -> memref<160x128xf32, #tpu.memory_space<vmem_shared>>
      tpu.enqueue_dma source(%arg12 : memref<160x128xf32, #tpu.memory_space<vmem>>) target(%dma_start3A_215 : memref<160x128xf32, #tpu.memory_space<vmem_shared>>) target_semaphore(%run_scoped3A_211 : memref<!tpu.dma_semaphore, #tpu.memory_space<semaphore_mem>>)
      %dma_wait3A_216 = arith.constant 0 : i32
      %dma_wait3A_217 = tpu.memref_slice %arg14[%add3A_17, %dma_wait3A_216] : memref<10240x128xf32, #tpu.memory_space<vmem_shared>> -> memref<160x128xf32, #tpu.memory_space<vmem_shared>>
      %dma_wait3A_218 = arith.constant 0 : i32
      %dma_wait3A_219 = tpu.memref_slice %arg14[%add3A_17, %dma_wait3A_218] : memref<10240x128xf32, #tpu.memory_space<vmem_shared>> -> memref<160x128xf32, #tpu.memory_space<vmem_shared>>
      tpu.wait_dma2 semaphore(%run_scoped3A_211 : memref<!tpu.dma_semaphore, #tpu.memory_space<semaphore_mem>>) src(%arg12 : memref<160x128xf32, #tpu.memory_space<vmem>>) dst(%dma_wait3A_219 : memref<160x128xf32, #tpu.memory_space<vmem_shared>>)
      tpu.yield
    }) : () -> ()
    %mul3A_18 = arith.constant 640 : i32
    %mul3A_19 = arith.muli %arg1, %mul3A_18 : i32
    %add3A_20 = arith.constant 320 : i32
    %add3A_21 = arith.addi %mul3A_19, %add3A_20 : i32
    "tpu.region"() ({
      %run_scoped3A_211 = tpu.sem_alloc : memref<!tpu.dma_semaphore, #tpu.memory_space<semaphore_mem>>
      %dma_start3A_212 = arith.constant 0 : i32
      %dma_start3A_213 = tpu.memref_slice %arg14[%add3A_21, %dma_start3A_212] : memref<10240x128xf32, #tpu.memory_space<vmem_shared>> -> memref<160x128xf32, #tpu.memory_space<vmem_shared>>
      %dma_start3A_214 = arith.constant 0 : i32
      %dma_start3A_215 = tpu.memref_slice %arg14[%add3A_21, %dma_start3A_214] : memref<10240x128xf32, #tpu.memory_space<vmem_shared>> -> memref<160x128xf32, #tpu.memory_space<vmem_shared>>
      tpu.enqueue_dma source(%arg12 : memref<160x128xf32, #tpu.memory_space<vmem>>) target(%dma_start3A_215 : memref<160x128xf32, #tpu.memory_space<vmem_shared>>) target_semaphore(%run_scoped3A_211 : memref<!tpu.dma_semaphore, #tpu.memory_space<semaphore_mem>>)
      %dma_wait3A_216 = arith.constant 0 : i32
      %dma_wait3A_217 = tpu.memref_slice %arg14[%add3A_21, %dma_wait3A_216] : memref<10240x128xf32, #tpu.memory_space<vmem_shared>> -> memref<160x128xf32, #tpu.memory_space<vmem_shared>>
      %dma_wait3A_218 = arith.constant 0 : i32
      %dma_wait3A_219 = tpu.memref_slice %arg14[%add3A_21, %dma_wait3A_218] : memref<10240x128xf32, #tpu.memory_space<vmem_shared>> -> memref<160x128xf32, #tpu.memory_space<vmem_shared>>
      tpu.wait_dma2 semaphore(%run_scoped3A_211 : memref<!tpu.dma_semaphore, #tpu.memory_space<semaphore_mem>>) src(%arg12 : memref<160x128xf32, #tpu.memory_space<vmem>>) dst(%dma_wait3A_219 : memref<160x128xf32, #tpu.memory_space<vmem_shared>>)
      tpu.yield
    }) : () -> ()
    %mul3A_22 = arith.constant 640 : i32
    %mul3A_23 = arith.muli %arg1, %mul3A_22 : i32
    %add3A_24 = arith.constant 480 : i32
    %add3A_25 = arith.addi %mul3A_23, %add3A_24 : i32
    "tpu.region"() ({
      %run_scoped3A_211 = tpu.sem_alloc : memref<!tpu.dma_semaphore, #tpu.memory_space<semaphore_mem>>
      %dma_start3A_212 = arith.constant 0 : i32
      %dma_start3A_213 = tpu.memref_slice %arg14[%add3A_25, %dma_start3A_212] : memref<10240x128xf32, #tpu.memory_space<vmem_shared>> -> memref<160x128xf32, #tpu.memory_space<vmem_shared>>
      %dma_start3A_214 = arith.constant 0 : i32
      %dma_start3A_215 = tpu.memref_slice %arg14[%add3A_25, %dma_start3A_214] : memref<10240x128xf32, #tpu.memory_space<vmem_shared>> -> memref<160x128xf32, #tpu.memory_space<vmem_shared>>
      tpu.enqueue_dma source(%arg12 : memref<160x128xf32, #tpu.memory_space<vmem>>) target(%dma_start3A_215 : memref<160x128xf32, #tpu.memory_space<vmem_shared>>) target_semaphore(%run_scoped3A_211 : memref<!tpu.dma_semaphore, #tpu.memory_space<semaphore_mem>>)
      %dma_wait3A_216 = arith.constant 0 : i32
      %dma_wait3A_217 = tpu.memref_slice %arg14[%add3A_25, %dma_wait3A_216] : memref<10240x128xf32, #tpu.memory_space<vmem_shared>> -> memref<160x128xf32, #tpu.memory_space<vmem_shared>>
      %dma_wait3A_218 = arith.constant 0 : i32
      %dma_wait3A_219 = tpu.memref_slice %arg14[%add3A_25, %dma_wait3A_218] : memref<10240x128xf32, #tpu.memory_space<vmem_shared>> -> memref<160x128xf32, #tpu.memory_space<vmem_shared>>
      tpu.wait_dma2 semaphore(%run_scoped3A_211 : memref<!tpu.dma_semaphore, #tpu.memory_space<semaphore_mem>>) src(%arg12 : memref<160x128xf32, #tpu.memory_space<vmem>>) dst(%dma_wait3A_219 : memref<160x128xf32, #tpu.memory_space<vmem_shared>>)
      tpu.yield
    }) : () -> ()
    %scan3A_26 = arith.constant 0 : i32
    %scan3A_27 = arith.constant 0 : i32
    %scan3A_28 = arith.constant 640 : i32
    %scan3A_29 = arith.addi %scan3A_27, %scan3A_28 : i32
    %scan3A_30 = arith.constant 1 : i32
    scf.for %scan3A_211 = %scan3A_27 to %scan3A_29 step %scan3A_30  : i32 {
      %mul3A_212 = arith.constant 16 : i32
      %mul3A_213 = arith.muli %scan3A_211, %mul3A_212 : i32
      %swap3A_214 = arith.index_cast %mul3A_213 : i32 to index
      %swap3A_215 = tpu.vector_load %arg13[%swap3A_214] {strides = array<i32>} : memref<10240xf32, #tpu.memory_space<vmem>>, vector<16xf32>,
      %swap3A_216 = vector.shape_cast %swap3A_215 : vector<16xf32> to vector<16xf32>
      %swap3A_217 = vector.shape_cast %sub3A : vector<16xf32> to vector<16xf32>
      tpu.vector_store %arg13[%swap3A_214], %swap3A_217 {strides = array<i32>} : memref<10240xf32, #tpu.memory_space<vmem>>, vector<16xf32>,
    }
    %scan3A_31 = arith.constant 640 : i32
    %barrier3A = arith.constant 0 : index
    tpu.barrier barrier_id(%barrier3A)
    %scan3A_32 = arith.constant 0 : i32
    %scan3A_33 = arith.constant 0 : i32
    %scan3A_34 = arith.constant 78 : i32
    %scan3A_35 = arith.addi %scan3A_33, %scan3A_34 : i32
    %scan3A_36 = arith.constant 1 : i32
    scf.for %scan3A_211 = %scan3A_33 to %scan3A_35 step %scan3A_36  : i32 {
      %mul3A_212 = arith.constant 10000 : i32
      %mul3A_213 = arith.muli %add3A, %mul3A_212 : i32
      %mul3A_214 = arith.constant 128 : i32
      %mul3A_215 = arith.muli %scan3A_211, %mul3A_214 : i32
      %add3A_216 = arith.addi %mul3A_213, %mul3A_215 : i32
      "tpu.region"() ({
        %run_scoped3A_235 = tpu.sem_alloc : memref<!tpu.dma_semaphore, #tpu.memory_space<semaphore_mem>>
        %dma_start3A_236 = tpu.memref_slice %arg3[%add3A_216] : memref<320000xi32, #tpu.memory_space<hbm>> -> memref<128xi32, #tpu.memory_space<hbm>>
        %dma_start3A_237 = tpu.memref_slice %arg3[%add3A_216] : memref<320000xi32, #tpu.memory_space<hbm>> -> memref<128xi32, #tpu.memory_space<hbm>>
        tpu.enqueue_dma source(%dma_start3A_237 : memref<128xi32, #tpu.memory_space<hbm>>) target(%arg8 : memref<128xi32, #tpu.memory_space<vmem>>) target_semaphore(%run_scoped3A_235 : memref<!tpu.dma_semaphore, #tpu.memory_space<semaphore_mem>>)
        %dma_wait3A_238 = tpu.memref_slice %arg3[%add3A_216] : memref<320000xi32, #tpu.memory_space<hbm>> -> memref<128xi32, #tpu.memory_space<hbm>>
        %dma_wait3A_239 = tpu.memref_slice %arg3[%add3A_216] : memref<320000xi32, #tpu.memory_space<hbm>> -> memref<128xi32, #tpu.memory_space<hbm>>
        tpu.wait_dma2 semaphore(%run_scoped3A_235 : memref<!tpu.dma_semaphore, #tpu.memory_space<semaphore_mem>>) src(%dma_wait3A_239 : memref<128xi32, #tpu.memory_space<hbm>>) dst(%arg8 : memref<128xi32, #tpu.memory_space<vmem>>)
        tpu.yield
      }) : () -> ()
      %scan3A_217 = arith.constant 0 : i32
      %scan3A_218 = arith.constant 0 : i32
      %scan3A_219 = arith.constant 8 : i32
      %scan3A_220 = arith.addi %scan3A_218, %scan3A_219 : i32
      %scan3A_221 = arith.constant 1 : i32
      scf.for %scan3A_235 = %scan3A_218 to %scan3A_220 step %scan3A_221  : i32 {
        %mul3A_236 = arith.constant 16 : i32
        %mul3A_237 = arith.muli %scan3A_235, %mul3A_236 : i32
        %get3A_238 = arith.index_cast %mul3A_237 : i32 to index
        %get3A_239 = tpu.vector_load %arg8[%get3A_238] {strides = array<i32>} : memref<128xi32, #tpu.memory_space<vmem>>, vector<16xi32>,
        %get3A_240 = vector.shape_cast %get3A_239 : vector<16xi32> to vector<16xi32>
        %and3A_241 = arith.constant 65535 : i32
        %and3A_242 = vector.broadcast %and3A_241 : i32 to vector<16xi32>
        %and3A_243 = arith.andi %get3A_240, %and3A_242 : vector<16xi32>
        %mul3A_244 = arith.constant 16 : i32
        %mul3A_245 = arith.muli %scan3A_235, %mul3A_244 : i32
        %swap3A_246 = arith.index_cast %mul3A_245 : i32 to index
        %swap3A_247 = tpu.vector_load %arg7[%swap3A_246] {strides = array<i32>} : memref<128xi32, #tpu.memory_space<vmem>>, vector<16xi32>,
        %swap3A_248 = vector.shape_cast %swap3A_247 : vector<16xi32> to vector<16xi32>
        %swap3A_249 = vector.shape_cast %and3A_243 : vector<16xi32> to vector<16xi32>
        tpu.vector_store %arg7[%swap3A_246], %swap3A_249 {strides = array<i32>} : memref<128xi32, #tpu.memory_space<vmem>>, vector<16xi32>,
        %shift_right_arithmetic3A_250 = arith.constant 16 : i32
        %shift_right_arithmetic3A_251 = vector.broadcast %shift_right_arithmetic3A_250 : i32 to vector<16xi32>
        %shift_right_arithmetic3A_252 = arith.shrsi %get3A_240, %shift_right_arithmetic3A_251 : vector<16xi32>
        %mul3A_253 = arith.constant 16 : i32
        %mul3A_254 = arith.muli %scan3A_235, %mul3A_253 : i32
        %swap3A_255 = arith.index_cast %mul3A_254 : i32 to index
        %swap3A_256 = tpu.vector_load %arg8[%swap3A_255] {strides = array<i32>} : memref<128xi32, #tpu.memory_space<vmem>>, vector<16xi32>,
        %swap3A_257 = vector.shape_cast %swap3A_256 : vector<16xi32> to vector<16xi32>
        %swap3A_258 = vector.shape_cast %shift_right_arithmetic3A_252 : vector<16xi32> to vector<16xi32>
        tpu.vector_store %arg8[%swap3A_255], %swap3A_258 {strides = array<i32>} : memref<128xi32, #tpu.memory_space<vmem>>, vector<16xi32>,
      }
      %scan3A_222 = arith.constant 8 : i32
      %dma_start3A_223 = arith.constant 0 : i32
      %dma_start3A_224 = arith.constant 0 : i32
      %dma_start3A_225 = tpu.memref_slice %arg2[%dma_start3A_223, %dma_start3A_224] : memref<10000x128xf32, #tpu.memory_space<hbm>> -> memref<10000x128xf32, #tpu.memory_space<hbm>>
      tpu.enqueue_indirect_dma source(%dma_start3A_225 : memref<10000x128xf32, #tpu.memory_space<hbm>>) target(%arg11 : memref<128x128xf32, #tpu.memory_space<vmem>>) offsets(%arg7 : memref<128xi32, #tpu.memory_space<vmem>>) semaphore(%arg15 : memref<!tpu.dma_semaphore, #tpu.memory_space<semaphore_mem>>)
      %dma_wait3A_226 = arith.constant 0 : i32
      %dma_wait3A_227 = arith.constant 0 : i32
      %dma_wait3A_228 = tpu.memref_slice %arg2[%dma_wait3A_226, %dma_wait3A_227] : memref<10000x128xf32, #tpu.memory_space<hbm>> -> memref<10000x128xf32, #tpu.memory_space<hbm>>
      tpu.wait_indirect_dma semaphore(%arg15 : memref<!tpu.dma_semaphore, #tpu.memory_space<semaphore_mem>>) src(%dma_wait3A_228 : memref<10000x128xf32, #tpu.memory_space<hbm>>) dst(%arg11 : memref<128x128xf32, #tpu.memory_space<vmem>>)
      "tpu.region"() ({
        %run_scoped3A_235 = tpu.sem_alloc : memref<!tpu.dma_semaphore, #tpu.memory_space<semaphore_mem>>
        %dma_start3A_236 = arith.constant 0 : i32
        %dma_start3A_237 = arith.constant 0 : i32
        %dma_start3A_238 = tpu.memref_slice %arg14[%dma_start3A_236, %dma_start3A_237] : memref<10240x128xf32, #tpu.memory_space<vmem_shared>> -> memref<10240x128xf32, #tpu.memory_space<vmem_shared>>
        tpu.enqueue_indirect_dma source(%arg11 : memref<128x128xf32, #tpu.memory_space<vmem>>) target(%dma_start3A_238 : memref<10240x128xf32, #tpu.memory_space<vmem_shared>>) offsets(%arg8 : memref<128xi32, #tpu.memory_space<vmem>>) semaphore(%run_scoped3A_235 : memref<!tpu.dma_semaphore, #tpu.memory_space<semaphore_mem>>) {add = true}
        %dma_wait3A_239 = arith.constant 0 : i32
        %dma_wait3A_240 = arith.constant 0 : i32
        %dma_wait3A_241 = tpu.memref_slice %arg14[%dma_wait3A_239, %dma_wait3A_240] : memref<10240x128xf32, #tpu.memory_space<vmem_shared>> -> memref<10240x128xf32, #tpu.memory_space<vmem_shared>>
        tpu.wait_indirect_dma semaphore(%run_scoped3A_235 : memref<!tpu.dma_semaphore, #tpu.memory_space<semaphore_mem>>) src(%arg11 : memref<128x128xf32, #tpu.memory_space<vmem>>) dst(%dma_wait3A_241 : memref<10240x128xf32, #tpu.memory_space<vmem_shared>>)
        tpu.yield
      }) : () -> ()
      %scan3A_229 = arith.constant 0 : i32
      %scan3A_230 = arith.constant 0 : i32
      %scan3A_231 = arith.constant 8 : i32
      %scan3A_232 = arith.addi %scan3A_230, %scan3A_231 : i32
      %scan3A_233 = arith.constant 1 : i32
      scf.for %scan3A_235 = %scan3A_230 to %scan3A_232 step %scan3A_233  : i32 {
        %mul3A_236 = arith.constant 16 : i32
        %mul3A_237 = arith.muli %scan3A_235, %mul3A_236 : i32
        %get3A_238 = arith.index_cast %mul3A_237 : i32 to index
        %get3A_239 = tpu.vector_load %arg8[%get3A_238] {strides = array<i32>} : memref<128xi32, #tpu.memory_space<vmem>>, vector<16xi32>,
        %get3A_240 = vector.shape_cast %get3A_239 : vector<16xi32> to vector<16xi32>
        %slice3A_241 = vector.extract_strided_slice %get3A_240 {offsets = [0], sizes = [1], strides = [1]} : vector<16xi32> to vector<1xi32>
        %squeeze3A_242 = vector.extract %slice3A_241[0] : i32 from vector<1xi32>
        %swap3A_243 = arith.index_cast %squeeze3A_242 : i32 to index
        %swap3A_244 = tpu.vector_load %arg13[%swap3A_243] {strides = array<i32>} : memref<10240xf32, #tpu.memory_space<vmem>>, vector<16xf32>,
        %swap3A_245 = vector.shape_cast %swap3A_244 : vector<16xf32> to vector<16xf32>
        %swap3A_246 = vector.shape_cast %get3A_4 : vector<16xf32> to vector<16xf32>
        tpu.vector_store %arg13[%swap3A_243], %swap3A_246 {add = true, strides = array<i32>} : memref<10240xf32, #tpu.memory_space<vmem>>, vector<16xf32>,
        %slice3A_247 = vector.extract_strided_slice %get3A_240 {offsets = [1], sizes = [1], strides = [1]} : vector<16xi32> to vector<1xi32>
        %squeeze3A_248 = vector.extract %slice3A_247[0] : i32 from vector<1xi32>
        %swap3A_249 = arith.index_cast %squeeze3A_248 : i32 to index
        %swap3A_250 = tpu.vector_load %arg13[%swap3A_249] {strides = array<i32>} : memref<10240xf32, #tpu.memory_space<vmem>>, vector<16xf32>,
        %swap3A_251 = vector.shape_cast %swap3A_250 : vector<16xf32> to vector<16xf32>
        %swap3A_252 = vector.shape_cast %get3A_4 : vector<16xf32> to vector<16xf32>
        tpu.vector_store %arg13[%swap3A_249], %swap3A_252 {add = true, strides = array<i32>} : memref<10240xf32, #tpu.memory_space<vmem>>, vector<16xf32>,
        %slice3A_253 = vector.extract_strided_slice %get3A_240 {offsets = [2], sizes = [1], strides = [1]} : vector<16xi32> to vector<1xi32>
        %squeeze3A_254 = vector.extract %slice3A_253[0] : i32 from vector<1xi32>
        %swap3A_255 = arith.index_cast %squeeze3A_254 : i32 to index
        %swap3A_256 = tpu.vector_load %arg13[%swap3A_255] {strides = array<i32>} : memref<10240xf32, #tpu.memory_space<vmem>>, vector<16xf32>,
        %swap3A_257 = vector.shape_cast %swap3A_256 : vector<16xf32> to vector<16xf32>
        %swap3A_258 = vector.shape_cast %get3A_4 : vector<16xf32> to vector<16xf32>
        tpu.vector_store %arg13[%swap3A_255], %swap3A_258 {add = true, strides = array<i32>} : memref<10240xf32, #tpu.memory_space<vmem>>, vector<16xf32>,
        %slice3A_259 = vector.extract_strided_slice %get3A_240 {offsets = [3], sizes = [1], strides = [1]} : vector<16xi32> to vector<1xi32>
        %squeeze3A_260 = vector.extract %slice3A_259[0] : i32 from vector<1xi32>
        %swap3A_261 = arith.index_cast %squeeze3A_260 : i32 to index
        %swap3A_262 = tpu.vector_load %arg13[%swap3A_261] {strides = array<i32>} : memref<10240xf32, #tpu.memory_space<vmem>>, vector<16xf32>,
        %swap3A_263 = vector.shape_cast %swap3A_262 : vector<16xf32> to vector<16xf32>
        %swap3A_264 = vector.shape_cast %get3A_4 : vector<16xf32> to vector<16xf32>
        tpu.vector_store %arg13[%swap3A_261], %swap3A_264 {add = true, strides = array<i32>} : memref<10240xf32, #tpu.memory_space<vmem>>, vector<16xf32>,
        %slice3A_265 = vector.extract_strided_slice %get3A_240 {offsets = [4], sizes = [1], strides = [1]} : vector<16xi32> to vector<1xi32>
        %squeeze3A_266 = vector.extract %slice3A_265[0] : i32 from vector<1xi32>
        %swap3A_267 = arith.index_cast %squeeze3A_266 : i32 to index
        %swap3A_268 = tpu.vector_load %arg13[%swap3A_267] {strides = array<i32>} : memref<10240xf32, #tpu.memory_space<vmem>>, vector<16xf32>,
        %swap3A_269 = vector.shape_cast %swap3A_268 : vector<16xf32> to vector<16xf32>
        %swap3A_270 = vector.shape_cast %get3A_4 : vector<16xf32> to vector<16xf32>
        tpu.vector_store %arg13[%swap3A_267], %swap3A_270 {add = true, strides = array<i32>} : memref<10240xf32, #tpu.memory_space<vmem>>, vector<16xf32>,
        %slice3A_271 = vector.extract_strided_slice %get3A_240 {offsets = [5], sizes = [1], strides = [1]} : vector<16xi32> to vector<1xi32>
        %squeeze3A_272 = vector.extract %slice3A_271[0] : i32 from vector<1xi32>
        %swap3A_273 = arith.index_cast %squeeze3A_272 : i32 to index
        %swap3A_274 = tpu.vector_load %arg13[%swap3A_273] {strides = array<i32>} : memref<10240xf32, #tpu.memory_space<vmem>>, vector<16xf32>,
        %swap3A_275 = vector.shape_cast %swap3A_274 : vector<16xf32> to vector<16xf32>
        %swap3A_276 = vector.shape_cast %get3A_4 : vector<16xf32> to vector<16xf32>
        tpu.vector_store %arg13[%swap3A_273], %swap3A_276 {add = true, strides = array<i32>} : memref<10240xf32, #tpu.memory_space<vmem>>, vector<16xf32>,
        %slice3A_277 = vector.extract_strided_slice %get3A_240 {offsets = [6], sizes = [1], strides = [1]} : vector<16xi32> to vector<1xi32>
        %squeeze3A_278 = vector.extract %slice3A_277[0] : i32 from vector<1xi32>
        %swap3A_279 = arith.index_cast %squeeze3A_278 : i32 to index
        %swap3A_280 = tpu.vector_load %arg13[%swap3A_279] {strides = array<i32>} : memref<10240xf32, #tpu.memory_space<vmem>>, vector<16xf32>,
        %swap3A_281 = vector.shape_cast %swap3A_280 : vector<16xf32> to vector<16xf32>
        %swap3A_282 = vector.shape_cast %get3A_4 : vector<16xf32> to vector<16xf32>
        tpu.vector_store %arg13[%swap3A_279], %swap3A_282 {add = true, strides = array<i32>} : memref<10240xf32, #tpu.memory_space<vmem>>, vector<16xf32>,
        %slice3A_283 = vector.extract_strided_slice %get3A_240 {offsets = [7], sizes = [1], strides = [1]} : vector<16xi32> to vector<1xi32>
        %squeeze3A_284 = vector.extract %slice3A_283[0] : i32 from vector<1xi32>
        %swap3A_285 = arith.index_cast %squeeze3A_284 : i32 to index
        %swap3A_286 = tpu.vector_load %arg13[%swap3A_285] {strides = array<i32>} : memref<10240xf32, #tpu.memory_space<vmem>>, vector<16xf32>,
        %swap3A_287 = vector.shape_cast %swap3A_286 : vector<16xf32> to vector<16xf32>
        %swap3A_288 = vector.shape_cast %get3A_4 : vector<16xf32> to vector<16xf32>
        tpu.vector_store %arg13[%swap3A_285], %swap3A_288 {add = true, strides = array<i32>} : memref<10240xf32, #tpu.memory_space<vmem>>, vector<16xf32>,
        %slice3A_289 = vector.extract_strided_slice %get3A_240 {offsets = [8], sizes = [1], strides = [1]} : vector<16xi32> to vector<1xi32>
        %squeeze3A_290 = vector.extract %slice3A_289[0] : i32 from vector<1xi32>
        %swap3A_291 = arith.index_cast %squeeze3A_290 : i32 to index
        %swap3A_292 = tpu.vector_load %arg13[%swap3A_291] {strides = array<i32>} : memref<10240xf32, #tpu.memory_space<vmem>>, vector<16xf32>,
        %swap3A_293 = vector.shape_cast %swap3A_292 : vector<16xf32> to vector<16xf32>
        %swap3A_294 = vector.shape_cast %get3A_4 : vector<16xf32> to vector<16xf32>
        tpu.vector_store %arg13[%swap3A_291], %swap3A_294 {add = true, strides = array<i32>} : memref<10240xf32, #tpu.memory_space<vmem>>, vector<16xf32>,
        %slice3A_295 = vector.extract_strided_slice %get3A_240 {offsets = [9], sizes = [1], strides = [1]} : vector<16xi32> to vector<1xi32>
        %squeeze3A_296 = vector.extract %slice3A_295[0] : i32 from vector<1xi32>
        %swap3A_297 = arith.index_cast %squeeze3A_296 : i32 to index
        %swap3A_298 = tpu.vector_load %arg13[%swap3A_297] {strides = array<i32>} : memref<10240xf32, #tpu.memory_space<vmem>>, vector<16xf32>,
        %swap3A_299 = vector.shape_cast %swap3A_298 : vector<16xf32> to vector<16xf32>
        %swap3A_300 = vector.shape_cast %get3A_4 : vector<16xf32> to vector<16xf32>
        tpu.vector_store %arg13[%swap3A_297], %swap3A_300 {add = true, strides = array<i32>} : memref<10240xf32, #tpu.memory_space<vmem>>, vector<16xf32>,
        %slice3A_301 = vector.extract_strided_slice %get3A_240 {offsets = [10], sizes = [1], strides = [1]} : vector<16xi32> to vector<1xi32>
        %squeeze3A_302 = vector.extract %slice3A_301[0] : i32 from vector<1xi32>
        %swap3A_303 = arith.index_cast %squeeze3A_302 : i32 to index
        %swap3A_304 = tpu.vector_load %arg13[%swap3A_303] {strides = array<i32>} : memref<10240xf32, #tpu.memory_space<vmem>>, vector<16xf32>,
        %swap3A_305 = vector.shape_cast %swap3A_304 : vector<16xf32> to vector<16xf32>
        %swap3A_306 = vector.shape_cast %get3A_4 : vector<16xf32> to vector<16xf32>
        tpu.vector_store %arg13[%swap3A_303], %swap3A_306 {add = true, strides = array<i32>} : memref<10240xf32, #tpu.memory_space<vmem>>, vector<16xf32>,
        %slice3A_307 = vector.extract_strided_slice %get3A_240 {offsets = [11], sizes = [1], strides = [1]} : vector<16xi32> to vector<1xi32>
        %squeeze3A_308 = vector.extract %slice3A_307[0] : i32 from vector<1xi32>
        %swap3A_309 = arith.index_cast %squeeze3A_308 : i32 to index
        %swap3A_310 = tpu.vector_load %arg13[%swap3A_309] {strides = array<i32>} : memref<10240xf32, #tpu.memory_space<vmem>>, vector<16xf32>,
        %swap3A_311 = vector.shape_cast %swap3A_310 : vector<16xf32> to vector<16xf32>
        %swap3A_312 = vector.shape_cast %get3A_4 : vector<16xf32> to vector<16xf32>
        tpu.vector_store %arg13[%swap3A_309], %swap3A_312 {add = true, strides = array<i32>} : memref<10240xf32, #tpu.memory_space<vmem>>, vector<16xf32>,
        %slice3A_313 = vector.extract_strided_slice %get3A_240 {offsets = [12], sizes = [1], strides = [1]} : vector<16xi32> to vector<1xi32>
        %squeeze3A_314 = vector.extract %slice3A_313[0] : i32 from vector<1xi32>
        %swap3A_315 = arith.index_cast %squeeze3A_314 : i32 to index
        %swap3A_316 = tpu.vector_load %arg13[%swap3A_315] {strides = array<i32>} : memref<10240xf32, #tpu.memory_space<vmem>>, vector<16xf32>,
        %swap3A_317 = vector.shape_cast %swap3A_316 : vector<16xf32> to vector<16xf32>
        %swap3A_318 = vector.shape_cast %get3A_4 : vector<16xf32> to vector<16xf32>
        tpu.vector_store %arg13[%swap3A_315], %swap3A_318 {add = true, strides = array<i32>} : memref<10240xf32, #tpu.memory_space<vmem>>, vector<16xf32>,
        %slice3A_319 = vector.extract_strided_slice %get3A_240 {offsets = [13], sizes = [1], strides = [1]} : vector<16xi32> to vector<1xi32>
        %squeeze3A_320 = vector.extract %slice3A_319[0] : i32 from vector<1xi32>
        %swap3A_321 = arith.index_cast %squeeze3A_320 : i32 to index
        %swap3A_322 = tpu.vector_load %arg13[%swap3A_321] {strides = array<i32>} : memref<10240xf32, #tpu.memory_space<vmem>>, vector<16xf32>,
        %swap3A_323 = vector.shape_cast %swap3A_322 : vector<16xf32> to vector<16xf32>
        %swap3A_324 = vector.shape_cast %get3A_4 : vector<16xf32> to vector<16xf32>
        tpu.vector_store %arg13[%swap3A_321], %swap3A_324 {add = true, strides = array<i32>} : memref<10240xf32, #tpu.memory_space<vmem>>, vector<16xf32>,
        %slice3A_325 = vector.extract_strided_slice %get3A_240 {offsets = [14], sizes = [1], strides = [1]} : vector<16xi32> to vector<1xi32>
        %squeeze3A_326 = vector.extract %slice3A_325[0] : i32 from vector<1xi32>
        %swap3A_327 = arith.index_cast %squeeze3A_326 : i32 to index
        %swap3A_328 = tpu.vector_load %arg13[%swap3A_327] {strides = array<i32>} : memref<10240xf32, #tpu.memory_space<vmem>>, vector<16xf32>,
        %swap3A_329 = vector.shape_cast %swap3A_328 : vector<16xf32> to vector<16xf32>
        %swap3A_330 = vector.shape_cast %get3A_4 : vector<16xf32> to vector<16xf32>
        tpu.vector_store %arg13[%swap3A_327], %swap3A_330 {add = true, strides = array<i32>} : memref<10240xf32, #tpu.memory_space<vmem>>, vector<16xf32>,
        %slice3A_331 = vector.extract_strided_slice %get3A_240 {offsets = [15], sizes = [1], strides = [1]} : vector<16xi32> to vector<1xi32>
        %squeeze3A_332 = vector.extract %slice3A_331[0] : i32 from vector<1xi32>
        %swap3A_333 = arith.index_cast %squeeze3A_332 : i32 to index
        %swap3A_334 = tpu.vector_load %arg13[%swap3A_333] {strides = array<i32>} : memref<10240xf32, #tpu.memory_space<vmem>>, vector<16xf32>,
        %swap3A_335 = vector.shape_cast %swap3A_334 : vector<16xf32> to vector<16xf32>
        %swap3A_336 = vector.shape_cast %get3A_4 : vector<16xf32> to vector<16xf32>
        tpu.vector_store %arg13[%swap3A_333], %swap3A_336 {add = true, strides = array<i32>} : memref<10240xf32, #tpu.memory_space<vmem>>, vector<16xf32>,
      }
      %scan3A_234 = arith.constant 8 : i32
    }
    %scan3A_37 = arith.constant 78 : i32
    %mul3A_38 = arith.constant 10000 : i32
    %mul3A_39 = arith.muli %add3A, %mul3A_38 : i32
    %add3A_40 = arith.constant 9984 : i32
    %add3A_41 = arith.addi %mul3A_39, %add3A_40 : i32
    "tpu.region"() ({
      %run_scoped3A_211 = tpu.sem_alloc : memref<!tpu.dma_semaphore, #tpu.memory_space<semaphore_mem>>
      %dma_start3A_212 = tpu.memref_slice %arg3[%add3A_41] : memref<320000xi32, #tpu.memory_space<hbm>> -> memref<16xi32, #tpu.memory_space<hbm>>
      %dma_start3A_213 = tpu.memref_slice %arg3[%add3A_41] : memref<320000xi32, #tpu.memory_space<hbm>> -> memref<16xi32, #tpu.memory_space<hbm>>
      tpu.enqueue_dma source(%dma_start3A_213 : memref<16xi32, #tpu.memory_space<hbm>>) target(%arg10 : memref<16xi32, #tpu.memory_space<vmem>>) target_semaphore(%run_scoped3A_211 : memref<!tpu.dma_semaphore, #tpu.memory_space<semaphore_mem>>)
      %dma_wait3A_214 = tpu.memref_slice %arg3[%add3A_41] : memref<320000xi32, #tpu.memory_space<hbm>> -> memref<16xi32, #tpu.memory_space<hbm>>
      %dma_wait3A_215 = tpu.memref_slice %arg3[%add3A_41] : memref<320000xi32, #tpu.memory_space<hbm>> -> memref<16xi32, #tpu.memory_space<hbm>>
      tpu.wait_dma2 semaphore(%run_scoped3A_211 : memref<!tpu.dma_semaphore, #tpu.memory_space<semaphore_mem>>) src(%dma_wait3A_215 : memref<16xi32, #tpu.memory_space<hbm>>) dst(%arg10 : memref<16xi32, #tpu.memory_space<vmem>>)
      tpu.yield
    }) : () -> ()
    %get3A_42 = arith.constant 0 : index
    %get3A_43 = tpu.vector_load %arg10[%get3A_42] {strides = array<i32>} : memref<16xi32, #tpu.memory_space<vmem>>, vector<16xi32>,
    %get3A_44 = vector.shape_cast %get3A_43 : vector<16xi32> to vector<16xi32>
    %and3A = arith.constant 65535 : i32
    %and3A_45 = vector.broadcast %and3A : i32 to vector<16xi32>
    %and3A_46 = arith.andi %get3A_44, %and3A_45 : vector<16xi32>
    %swap3A = arith.constant 0 : index
    %swap3A_47 = tpu.vector_load %arg9[%swap3A] {strides = array<i32>} : memref<16xi32, #tpu.memory_space<vmem>>, vector<16xi32>,
    %swap3A_48 = vector.shape_cast %swap3A_47 : vector<16xi32> to vector<16xi32>
    %swap3A_49 = vector.shape_cast %and3A_46 : vector<16xi32> to vector<16xi32>
    tpu.vector_store %arg9[%swap3A], %swap3A_49 {strides = array<i32>} : memref<16xi32, #tpu.memory_space<vmem>>, vector<16xi32>,
    %shift_right_arithmetic3A = arith.constant 16 : i32
    %shift_right_arithmetic3A_50 = vector.broadcast %shift_right_arithmetic3A : i32 to vector<16xi32>
    %shift_right_arithmetic3A_51 = arith.shrsi %get3A_44, %shift_right_arithmetic3A_50 : vector<16xi32>
    %swap3A_52 = arith.constant 0 : index
    %swap3A_53 = tpu.vector_load %arg10[%swap3A_52] {strides = array<i32>} : memref<16xi32, #tpu.memory_space<vmem>>, vector<16xi32>,
    %swap3A_54 = vector.shape_cast %swap3A_53 : vector<16xi32> to vector<16xi32>
    %swap3A_55 = vector.shape_cast %shift_right_arithmetic3A_51 : vector<16xi32> to vector<16xi32>
    tpu.vector_store %arg10[%swap3A_52], %swap3A_55 {strides = array<i32>} : memref<16xi32, #tpu.memory_space<vmem>>, vector<16xi32>,
    %dma_start3A = arith.constant 0 : i32
    %dma_start3A_56 = arith.constant 0 : i32
    %dma_start3A_57 = tpu.memref_slice %arg11[%dma_start3A, %dma_start3A_56] : memref<128x128xf32, #tpu.memory_space<vmem>> -> memref<16x128xf32, #tpu.memory_space<vmem>>
    %dma_start3A_58 = arith.constant 0 : i32
    %dma_start3A_59 = arith.constant 0 : i32
    %dma_start3A_60 = tpu.memref_slice %arg2[%dma_start3A_58, %dma_start3A_59] : memref<10000x128xf32, #tpu.memory_space<hbm>> -> memref<10000x128xf32, #tpu.memory_space<hbm>>
    tpu.enqueue_indirect_dma source(%dma_start3A_60 : memref<10000x128xf32, #tpu.memory_space<hbm>>) target(%dma_start3A_57 : memref<16x128xf32, #tpu.memory_space<vmem>>) offsets(%arg9 : memref<16xi32, #tpu.memory_space<vmem>>) semaphore(%arg15 : memref<!tpu.dma_semaphore, #tpu.memory_space<semaphore_mem>>)
    %dma_wait3A = arith.constant 0 : i32
    %dma_wait3A_61 = arith.constant 0 : i32
    %dma_wait3A_62 = tpu.memref_slice %arg11[%dma_wait3A, %dma_wait3A_61] : memref<128x128xf32, #tpu.memory_space<vmem>> -> memref<16x128xf32, #tpu.memory_space<vmem>>
    %dma_wait3A_63 = arith.constant 0 : i32
    %dma_wait3A_64 = arith.constant 0 : i32
    %dma_wait3A_65 = tpu.memref_slice %arg2[%dma_wait3A_63, %dma_wait3A_64] : memref<10000x128xf32, #tpu.memory_space<hbm>> -> memref<10000x128xf32, #tpu.memory_space<hbm>>
    tpu.wait_indirect_dma semaphore(%arg15 : memref<!tpu.dma_semaphore, #tpu.memory_space<semaphore_mem>>) src(%dma_wait3A_65 : memref<10000x128xf32, #tpu.memory_space<hbm>>) dst(%dma_wait3A_62 : memref<16x128xf32, #tpu.memory_space<vmem>>)
    "tpu.region"() ({
      %run_scoped3A_211 = tpu.sem_alloc : memref<!tpu.dma_semaphore, #tpu.memory_space<semaphore_mem>>
      %dma_start3A_212 = arith.constant 0 : i32
      %dma_start3A_213 = arith.constant 0 : i32
      %dma_start3A_214 = tpu.memref_slice %arg11[%dma_start3A_212, %dma_start3A_213] : memref<128x128xf32, #tpu.memory_space<vmem>> -> memref<16x128xf32, #tpu.memory_space<vmem>>
      %dma_start3A_215 = arith.constant 0 : i32
      %dma_start3A_216 = arith.constant 0 : i32
      %dma_start3A_217 = tpu.memref_slice %arg14[%dma_start3A_215, %dma_start3A_216] : memref<10240x128xf32, #tpu.memory_space<vmem_shared>> -> memref<10240x128xf32, #tpu.memory_space<vmem_shared>>
      tpu.enqueue_indirect_dma source(%dma_start3A_214 : memref<16x128xf32, #tpu.memory_space<vmem>>) target(%dma_start3A_217 : memref<10240x128xf32, #tpu.memory_space<vmem_shared>>) offsets(%arg10 : memref<16xi32, #tpu.memory_space<vmem>>) semaphore(%run_scoped3A_211 : memref<!tpu.dma_semaphore, #tpu.memory_space<semaphore_mem>>) {add = true}
      %dma_wait3A_218 = arith.constant 0 : i32
      %dma_wait3A_219 = arith.constant 0 : i32
      %dma_wait3A_220 = tpu.memref_slice %arg11[%dma_wait3A_218, %dma_wait3A_219] : memref<128x128xf32, #tpu.memory_space<vmem>> -> memref<16x128xf32, #tpu.memory_space<vmem>>
      %dma_wait3A_221 = arith.constant 0 : i32
      %dma_wait3A_222 = arith.constant 0 : i32
      %dma_wait3A_223 = tpu.memref_slice %arg14[%dma_wait3A_221, %dma_wait3A_222] : memref<10240x128xf32, #tpu.memory_space<vmem_shared>> -> memref<10240x128xf32, #tpu.memory_space<vmem_shared>>
      tpu.wait_indirect_dma semaphore(%run_scoped3A_211 : memref<!tpu.dma_semaphore, #tpu.memory_space<semaphore_mem>>) src(%dma_wait3A_220 : memref<16x128xf32, #tpu.memory_space<vmem>>) dst(%dma_wait3A_223 : memref<10240x128xf32, #tpu.memory_space<vmem_shared>>)
      tpu.yield
    }) : () -> ()
    %slice3A = vector.extract_strided_slice %get3A_44 {offsets = [0], sizes = [1], strides = [1]} : vector<16xi32> to vector<1xi32>
    %squeeze3A = vector.extract %slice3A[0] : i32 from vector<1xi32>
    %shift_right_arithmetic3A_66 = arith.constant 16 : i32
    %shift_right_arithmetic3A_67 = arith.shrsi %squeeze3A, %shift_right_arithmetic3A_66 : i32
    %swap3A_68 = arith.index_cast %shift_right_arithmetic3A_67 : i32 to index
    %swap3A_69 = tpu.vector_load %arg13[%swap3A_68] {strides = array<i32>} : memref<10240xf32, #tpu.memory_space<vmem>>, vector<16xf32>,
    %swap3A_70 = vector.shape_cast %swap3A_69 : vector<16xf32> to vector<16xf32>
    %swap3A_71 = vector.shape_cast %get3A_4 : vector<16xf32> to vector<16xf32>
    tpu.vector_store %arg13[%swap3A_68], %swap3A_71 {add = true, strides = array<i32>} : memref<10240xf32, #tpu.memory_space<vmem>>, vector<16xf32>,
    %slice3A_72 = vector.extract_strided_slice %get3A_44 {offsets = [1], sizes = [1], strides = [1]} : vector<16xi32> to vector<1xi32>
    %squeeze3A_73 = vector.extract %slice3A_72[0] : i32 from vector<1xi32>
    %shift_right_arithmetic3A_74 = arith.constant 16 : i32
    %shift_right_arithmetic3A_75 = arith.shrsi %squeeze3A_73, %shift_right_arithmetic3A_74 : i32
    %swap3A_76 = arith.index_cast %shift_right_arithmetic3A_75 : i32 to index
    %swap3A_77 = tpu.vector_load %arg13[%swap3A_76] {strides = array<i32>} : memref<10240xf32, #tpu.memory_space<vmem>>, vector<16xf32>,
    %swap3A_78 = vector.shape_cast %swap3A_77 : vector<16xf32> to vector<16xf32>
    %swap3A_79 = vector.shape_cast %get3A_4 : vector<16xf32> to vector<16xf32>
    tpu.vector_store %arg13[%swap3A_76], %swap3A_79 {add = true, strides = array<i32>} : memref<10240xf32, #tpu.memory_space<vmem>>, vector<16xf32>,
    %slice3A_80 = vector.extract_strided_slice %get3A_44 {offsets = [2], sizes = [1], strides = [1]} : vector<16xi32> to vector<1xi32>
    %squeeze3A_81 = vector.extract %slice3A_80[0] : i32 from vector<1xi32>
    %shift_right_arithmetic3A_82 = arith.constant 16 : i32
    %shift_right_arithmetic3A_83 = arith.shrsi %squeeze3A_81, %shift_right_arithmetic3A_82 : i32
    %swap3A_84 = arith.index_cast %shift_right_arithmetic3A_83 : i32 to index
    %swap3A_85 = tpu.vector_load %arg13[%swap3A_84] {strides = array<i32>} : memref<10240xf32, #tpu.memory_space<vmem>>, vector<16xf32>,
    %swap3A_86 = vector.shape_cast %swap3A_85 : vector<16xf32> to vector<16xf32>
    %swap3A_87 = vector.shape_cast %get3A_4 : vector<16xf32> to vector<16xf32>
    tpu.vector_store %arg13[%swap3A_84], %swap3A_87 {add = true, strides = array<i32>} : memref<10240xf32, #tpu.memory_space<vmem>>, vector<16xf32>,
    %slice3A_88 = vector.extract_strided_slice %get3A_44 {offsets = [3], sizes = [1], strides = [1]} : vector<16xi32> to vector<1xi32>
    %squeeze3A_89 = vector.extract %slice3A_88[0] : i32 from vector<1xi32>
    %shift_right_arithmetic3A_90 = arith.constant 16 : i32
    %shift_right_arithmetic3A_91 = arith.shrsi %squeeze3A_89, %shift_right_arithmetic3A_90 : i32
    %swap3A_92 = arith.index_cast %shift_right_arithmetic3A_91 : i32 to index
    %swap3A_93 = tpu.vector_load %arg13[%swap3A_92] {strides = array<i32>} : memref<10240xf32, #tpu.memory_space<vmem>>, vector<16xf32>,
    %swap3A_94 = vector.shape_cast %swap3A_93 : vector<16xf32> to vector<16xf32>
    %swap3A_95 = vector.shape_cast %get3A_4 : vector<16xf32> to vector<16xf32>
    tpu.vector_store %arg13[%swap3A_92], %swap3A_95 {add = true, strides = array<i32>} : memref<10240xf32, #tpu.memory_space<vmem>>, vector<16xf32>,
    %slice3A_96 = vector.extract_strided_slice %get3A_44 {offsets = [4], sizes = [1], strides = [1]} : vector<16xi32> to vector<1xi32>
    %squeeze3A_97 = vector.extract %slice3A_96[0] : i32 from vector<1xi32>
    %shift_right_arithmetic3A_98 = arith.constant 16 : i32
    %shift_right_arithmetic3A_99 = arith.shrsi %squeeze3A_97, %shift_right_arithmetic3A_98 : i32
    %swap3A_100 = arith.index_cast %shift_right_arithmetic3A_99 : i32 to index
    %swap3A_101 = tpu.vector_load %arg13[%swap3A_100] {strides = array<i32>} : memref<10240xf32, #tpu.memory_space<vmem>>, vector<16xf32>,
    %swap3A_102 = vector.shape_cast %swap3A_101 : vector<16xf32> to vector<16xf32>
    %swap3A_103 = vector.shape_cast %get3A_4 : vector<16xf32> to vector<16xf32>
    tpu.vector_store %arg13[%swap3A_100], %swap3A_103 {add = true, strides = array<i32>} : memref<10240xf32, #tpu.memory_space<vmem>>, vector<16xf32>,
    %slice3A_104 = vector.extract_strided_slice %get3A_44 {offsets = [5], sizes = [1], strides = [1]} : vector<16xi32> to vector<1xi32>
    %squeeze3A_105 = vector.extract %slice3A_104[0] : i32 from vector<1xi32>
    %shift_right_arithmetic3A_106 = arith.constant 16 : i32
    %shift_right_arithmetic3A_107 = arith.shrsi %squeeze3A_105, %shift_right_arithmetic3A_106 : i32
    %swap3A_108 = arith.index_cast %shift_right_arithmetic3A_107 : i32 to index
    %swap3A_109 = tpu.vector_load %arg13[%swap3A_108] {strides = array<i32>} : memref<10240xf32, #tpu.memory_space<vmem>>, vector<16xf32>,
    %swap3A_110 = vector.shape_cast %swap3A_109 : vector<16xf32> to vector<16xf32>
    %swap3A_111 = vector.shape_cast %get3A_4 : vector<16xf32> to vector<16xf32>
    tpu.vector_store %arg13[%swap3A_108], %swap3A_111 {add = true, strides = array<i32>} : memref<10240xf32, #tpu.memory_space<vmem>>, vector<16xf32>,
    %slice3A_112 = vector.extract_strided_slice %get3A_44 {offsets = [6], sizes = [1], strides = [1]} : vector<16xi32> to vector<1xi32>
    %squeeze3A_113 = vector.extract %slice3A_112[0] : i32 from vector<1xi32>
    %shift_right_arithmetic3A_114 = arith.constant 16 : i32
    %shift_right_arithmetic3A_115 = arith.shrsi %squeeze3A_113, %shift_right_arithmetic3A_114 : i32
    %swap3A_116 = arith.index_cast %shift_right_arithmetic3A_115 : i32 to index
    %swap3A_117 = tpu.vector_load %arg13[%swap3A_116] {strides = array<i32>} : memref<10240xf32, #tpu.memory_space<vmem>>, vector<16xf32>,
    %swap3A_118 = vector.shape_cast %swap3A_117 : vector<16xf32> to vector<16xf32>
    %swap3A_119 = vector.shape_cast %get3A_4 : vector<16xf32> to vector<16xf32>
    tpu.vector_store %arg13[%swap3A_116], %swap3A_119 {add = true, strides = array<i32>} : memref<10240xf32, #tpu.memory_space<vmem>>, vector<16xf32>,
    %slice3A_120 = vector.extract_strided_slice %get3A_44 {offsets = [7], sizes = [1], strides = [1]} : vector<16xi32> to vector<1xi32>
    %squeeze3A_121 = vector.extract %slice3A_120[0] : i32 from vector<1xi32>
    %shift_right_arithmetic3A_122 = arith.constant 16 : i32
    %shift_right_arithmetic3A_123 = arith.shrsi %squeeze3A_121, %shift_right_arithmetic3A_122 : i32
    %swap3A_124 = arith.index_cast %shift_right_arithmetic3A_123 : i32 to index
    %swap3A_125 = tpu.vector_load %arg13[%swap3A_124] {strides = array<i32>} : memref<10240xf32, #tpu.memory_space<vmem>>, vector<16xf32>,
    %swap3A_126 = vector.shape_cast %swap3A_125 : vector<16xf32> to vector<16xf32>
    %swap3A_127 = vector.shape_cast %get3A_4 : vector<16xf32> to vector<16xf32>
    tpu.vector_store %arg13[%swap3A_124], %swap3A_127 {add = true, strides = array<i32>} : memref<10240xf32, #tpu.memory_space<vmem>>, vector<16xf32>,
    %slice3A_128 = vector.extract_strided_slice %get3A_44 {offsets = [8], sizes = [1], strides = [1]} : vector<16xi32> to vector<1xi32>
    %squeeze3A_129 = vector.extract %slice3A_128[0] : i32 from vector<1xi32>
    %shift_right_arithmetic3A_130 = arith.constant 16 : i32
    %shift_right_arithmetic3A_131 = arith.shrsi %squeeze3A_129, %shift_right_arithmetic3A_130 : i32
    %swap3A_132 = arith.index_cast %shift_right_arithmetic3A_131 : i32 to index
    %swap3A_133 = tpu.vector_load %arg13[%swap3A_132] {strides = array<i32>} : memref<10240xf32, #tpu.memory_space<vmem>>, vector<16xf32>,
    %swap3A_134 = vector.shape_cast %swap3A_133 : vector<16xf32> to vector<16xf32>
    %swap3A_135 = vector.shape_cast %get3A_4 : vector<16xf32> to vector<16xf32>
    tpu.vector_store %arg13[%swap3A_132], %swap3A_135 {add = true, strides = array<i32>} : memref<10240xf32, #tpu.memory_space<vmem>>, vector<16xf32>,
    %slice3A_136 = vector.extract_strided_slice %get3A_44 {offsets = [9], sizes = [1], strides = [1]} : vector<16xi32> to vector<1xi32>
    %squeeze3A_137 = vector.extract %slice3A_136[0] : i32 from vector<1xi32>
    %shift_right_arithmetic3A_138 = arith.constant 16 : i32
    %shift_right_arithmetic3A_139 = arith.shrsi %squeeze3A_137, %shift_right_arithmetic3A_138 : i32
    %swap3A_140 = arith.index_cast %shift_right_arithmetic3A_139 : i32 to index
    %swap3A_141 = tpu.vector_load %arg13[%swap3A_140] {strides = array<i32>} : memref<10240xf32, #tpu.memory_space<vmem>>, vector<16xf32>,
    %swap3A_142 = vector.shape_cast %swap3A_141 : vector<16xf32> to vector<16xf32>
    %swap3A_143 = vector.shape_cast %get3A_4 : vector<16xf32> to vector<16xf32>
    tpu.vector_store %arg13[%swap3A_140], %swap3A_143 {add = true, strides = array<i32>} : memref<10240xf32, #tpu.memory_space<vmem>>, vector<16xf32>,
    %slice3A_144 = vector.extract_strided_slice %get3A_44 {offsets = [10], sizes = [1], strides = [1]} : vector<16xi32> to vector<1xi32>
    %squeeze3A_145 = vector.extract %slice3A_144[0] : i32 from vector<1xi32>
    %shift_right_arithmetic3A_146 = arith.constant 16 : i32
    %shift_right_arithmetic3A_147 = arith.shrsi %squeeze3A_145, %shift_right_arithmetic3A_146 : i32
    %swap3A_148 = arith.index_cast %shift_right_arithmetic3A_147 : i32 to index
    %swap3A_149 = tpu.vector_load %arg13[%swap3A_148] {strides = array<i32>} : memref<10240xf32, #tpu.memory_space<vmem>>, vector<16xf32>,
    %swap3A_150 = vector.shape_cast %swap3A_149 : vector<16xf32> to vector<16xf32>
    %swap3A_151 = vector.shape_cast %get3A_4 : vector<16xf32> to vector<16xf32>
    tpu.vector_store %arg13[%swap3A_148], %swap3A_151 {add = true, strides = array<i32>} : memref<10240xf32, #tpu.memory_space<vmem>>, vector<16xf32>,
    %slice3A_152 = vector.extract_strided_slice %get3A_44 {offsets = [11], sizes = [1], strides = [1]} : vector<16xi32> to vector<1xi32>
    %squeeze3A_153 = vector.extract %slice3A_152[0] : i32 from vector<1xi32>
    %shift_right_arithmetic3A_154 = arith.constant 16 : i32
    %shift_right_arithmetic3A_155 = arith.shrsi %squeeze3A_153, %shift_right_arithmetic3A_154 : i32
    %swap3A_156 = arith.index_cast %shift_right_arithmetic3A_155 : i32 to index
    %swap3A_157 = tpu.vector_load %arg13[%swap3A_156] {strides = array<i32>} : memref<10240xf32, #tpu.memory_space<vmem>>, vector<16xf32>,
    %swap3A_158 = vector.shape_cast %swap3A_157 : vector<16xf32> to vector<16xf32>
    %swap3A_159 = vector.shape_cast %get3A_4 : vector<16xf32> to vector<16xf32>
    tpu.vector_store %arg13[%swap3A_156], %swap3A_159 {add = true, strides = array<i32>} : memref<10240xf32, #tpu.memory_space<vmem>>, vector<16xf32>,
    %slice3A_160 = vector.extract_strided_slice %get3A_44 {offsets = [12], sizes = [1], strides = [1]} : vector<16xi32> to vector<1xi32>
    %squeeze3A_161 = vector.extract %slice3A_160[0] : i32 from vector<1xi32>
    %shift_right_arithmetic3A_162 = arith.constant 16 : i32
    %shift_right_arithmetic3A_163 = arith.shrsi %squeeze3A_161, %shift_right_arithmetic3A_162 : i32
    %swap3A_164 = arith.index_cast %shift_right_arithmetic3A_163 : i32 to index
    %swap3A_165 = tpu.vector_load %arg13[%swap3A_164] {strides = array<i32>} : memref<10240xf32, #tpu.memory_space<vmem>>, vector<16xf32>,
    %swap3A_166 = vector.shape_cast %swap3A_165 : vector<16xf32> to vector<16xf32>
    %swap3A_167 = vector.shape_cast %get3A_4 : vector<16xf32> to vector<16xf32>
    tpu.vector_store %arg13[%swap3A_164], %swap3A_167 {add = true, strides = array<i32>} : memref<10240xf32, #tpu.memory_space<vmem>>, vector<16xf32>,
    %slice3A_168 = vector.extract_strided_slice %get3A_44 {offsets = [13], sizes = [1], strides = [1]} : vector<16xi32> to vector<1xi32>
    %squeeze3A_169 = vector.extract %slice3A_168[0] : i32 from vector<1xi32>
    %shift_right_arithmetic3A_170 = arith.constant 16 : i32
    %shift_right_arithmetic3A_171 = arith.shrsi %squeeze3A_169, %shift_right_arithmetic3A_170 : i32
    %swap3A_172 = arith.index_cast %shift_right_arithmetic3A_171 : i32 to index
    %swap3A_173 = tpu.vector_load %arg13[%swap3A_172] {strides = array<i32>} : memref<10240xf32, #tpu.memory_space<vmem>>, vector<16xf32>,
    %swap3A_174 = vector.shape_cast %swap3A_173 : vector<16xf32> to vector<16xf32>
    %swap3A_175 = vector.shape_cast %get3A_4 : vector<16xf32> to vector<16xf32>
    tpu.vector_store %arg13[%swap3A_172], %swap3A_175 {add = true, strides = array<i32>} : memref<10240xf32, #tpu.memory_space<vmem>>, vector<16xf32>,
    %slice3A_176 = vector.extract_strided_slice %get3A_44 {offsets = [14], sizes = [1], strides = [1]} : vector<16xi32> to vector<1xi32>
    %squeeze3A_177 = vector.extract %slice3A_176[0] : i32 from vector<1xi32>
    %shift_right_arithmetic3A_178 = arith.constant 16 : i32
    %shift_right_arithmetic3A_179 = arith.shrsi %squeeze3A_177, %shift_right_arithmetic3A_178 : i32
    %swap3A_180 = arith.index_cast %shift_right_arithmetic3A_179 : i32 to index
    %swap3A_181 = tpu.vector_load %arg13[%swap3A_180] {strides = array<i32>} : memref<10240xf32, #tpu.memory_space<vmem>>, vector<16xf32>,
    %swap3A_182 = vector.shape_cast %swap3A_181 : vector<16xf32> to vector<16xf32>
    %swap3A_183 = vector.shape_cast %get3A_4 : vector<16xf32> to vector<16xf32>
    tpu.vector_store %arg13[%swap3A_180], %swap3A_183 {add = true, strides = array<i32>} : memref<10240xf32, #tpu.memory_space<vmem>>, vector<16xf32>,
    %slice3A_184 = vector.extract_strided_slice %get3A_44 {offsets = [15], sizes = [1], strides = [1]} : vector<16xi32> to vector<1xi32>
    %squeeze3A_185 = vector.extract %slice3A_184[0] : i32 from vector<1xi32>
    %shift_right_arithmetic3A_186 = arith.constant 16 : i32
    %shift_right_arithmetic3A_187 = arith.shrsi %squeeze3A_185, %shift_right_arithmetic3A_186 : i32
    %swap3A_188 = arith.index_cast %shift_right_arithmetic3A_187 : i32 to index
    %swap3A_189 = tpu.vector_load %arg13[%swap3A_188] {strides = array<i32>} : memref<10240xf32, #tpu.memory_space<vmem>>, vector<16xf32>,
    %swap3A_190 = vector.shape_cast %swap3A_189 : vector<16xf32> to vector<16xf32>
    %swap3A_191 = vector.shape_cast %get3A_4 : vector<16xf32> to vector<16xf32>
    tpu.vector_store %arg13[%swap3A_188], %swap3A_191 {add = true, strides = array<i32>} : memref<10240xf32, #tpu.memory_space<vmem>>, vector<16xf32>,
    %barrier3A_192 = arith.constant 0 : index
    tpu.barrier barrier_id(%barrier3A_192)
    %mul3A_193 = arith.constant 640 : i32
    %mul3A_194 = arith.muli %arg1, %mul3A_193 : i32
    %add3A_195 = arith.constant 0 : i32
    %add3A_196 = arith.addi %mul3A_194, %add3A_195 : i32
    "tpu.region"() ({
      %run_scoped3A_211 = tpu.sem_alloc : memref<!tpu.dma_semaphore, #tpu.memory_space<semaphore_mem>>
      %dma_start3A_212 = arith.constant 0 : i32
      %dma_start3A_213 = tpu.memref_slice %arg14[%add3A_196, %dma_start3A_212] : memref<10240x128xf32, #tpu.memory_space<vmem_shared>> -> memref<160x128xf32, #tpu.memory_space<vmem_shared>>
      %dma_start3A_214 = arith.constant 0 : i32
      %dma_start3A_215 = tpu.memref_slice %arg14[%add3A_196, %dma_start3A_214] : memref<10240x128xf32, #tpu.memory_space<vmem_shared>> -> memref<160x128xf32, #tpu.memory_space<vmem_shared>>
      tpu.enqueue_dma source(%dma_start3A_215 : memref<160x128xf32, #tpu.memory_space<vmem_shared>>) target(%arg12 : memref<160x128xf32, #tpu.memory_space<vmem>>) target_semaphore(%run_scoped3A_211 : memref<!tpu.dma_semaphore, #tpu.memory_space<semaphore_mem>>)
      %dma_wait3A_216 = arith.constant 0 : i32
      %dma_wait3A_217 = tpu.memref_slice %arg14[%add3A_196, %dma_wait3A_216] : memref<10240x128xf32, #tpu.memory_space<vmem_shared>> -> memref<160x128xf32, #tpu.memory_space<vmem_shared>>
      %dma_wait3A_218 = arith.constant 0 : i32
      %dma_wait3A_219 = tpu.memref_slice %arg14[%add3A_196, %dma_wait3A_218] : memref<10240x128xf32, #tpu.memory_space<vmem_shared>> -> memref<160x128xf32, #tpu.memory_space<vmem_shared>>
      tpu.wait_dma2 semaphore(%run_scoped3A_211 : memref<!tpu.dma_semaphore, #tpu.memory_space<semaphore_mem>>) src(%dma_wait3A_219 : memref<160x128xf32, #tpu.memory_space<vmem_shared>>) dst(%arg12 : memref<160x128xf32, #tpu.memory_space<vmem>>)
      tpu.yield
    }) : () -> ()
    "tpu.region"() ({
      %run_scoped3A_211 = tpu.sem_alloc : memref<!tpu.dma_semaphore, #tpu.memory_space<semaphore_mem>>
      %dma_start3A_212 = arith.constant 0 : i32
      %dma_start3A_213 = tpu.memref_slice %arg5[%arg0, %add3A_196, %dma_start3A_212] : memref<2x10240x128xf32, #tpu.memory_space<hbm>> -> memref<1x160x128xf32, #tpu.memory_space<hbm>>
      %dma_start3A_214 = tpu.memref_squeeze %dma_start3A_213 : memref<1x160x128xf32, #tpu.memory_space<hbm>> -> memref<160x128xf32, #tpu.memory_space<hbm>>
      %dma_start3A_215 = arith.constant 0 : i32
      %dma_start3A_216 = tpu.memref_slice %arg5[%arg0, %add3A_196, %dma_start3A_215] : memref<2x10240x128xf32, #tpu.memory_space<hbm>> -> memref<1x160x128xf32, #tpu.memory_space<hbm>>
      %dma_start3A_217 = tpu.memref_squeeze %dma_start3A_216 : memref<1x160x128xf32, #tpu.memory_space<hbm>> -> memref<160x128xf32, #tpu.memory_space<hbm>>
      tpu.enqueue_dma source(%arg12 : memref<160x128xf32, #tpu.memory_space<vmem>>) target(%dma_start3A_217 : memref<160x128xf32, #tpu.memory_space<hbm>>) target_semaphore(%run_scoped3A_211 : memref<!tpu.dma_semaphore, #tpu.memory_space<semaphore_mem>>)
      %dma_wait3A_218 = arith.constant 0 : i32
      %dma_wait3A_219 = tpu.memref_slice %arg5[%arg0, %add3A_196, %dma_wait3A_218] : memref<2x10240x128xf32, #tpu.memory_space<hbm>> -> memref<1x160x128xf32, #tpu.memory_space<hbm>>
      %dma_wait3A_220 = tpu.memref_squeeze %dma_wait3A_219 : memref<1x160x128xf32, #tpu.memory_space<hbm>> -> memref<160x128xf32, #tpu.memory_space<hbm>>
      %dma_wait3A_221 = arith.constant 0 : i32
      %dma_wait3A_222 = tpu.memref_slice %arg5[%arg0, %add3A_196, %dma_wait3A_221] : memref<2x10240x128xf32, #tpu.memory_space<hbm>> -> memref<1x160x128xf32, #tpu.memory_space<hbm>>
      %dma_wait3A_223 = tpu.memref_squeeze %dma_wait3A_222 : memref<1x160x128xf32, #tpu.memory_space<hbm>> -> memref<160x128xf32, #tpu.memory_space<hbm>>
      tpu.wait_dma2 semaphore(%run_scoped3A_211 : memref<!tpu.dma_semaphore, #tpu.memory_space<semaphore_mem>>) src(%arg12 : memref<160x128xf32, #tpu.memory_space<vmem>>) dst(%dma_wait3A_223 : memref<160x128xf32, #tpu.memory_space<hbm>>)
      tpu.yield
    }) : () -> ()
    %mul3A_197 = arith.constant 640 : i32
    %mul3A_198 = arith.muli %arg1, %mul3A_197 : i32
    %add3A_199 = arith.constant 160 : i32
    %add3A_200 = arith.addi %mul3A_198, %add3A_199 : i32
    "tpu.region"() ({
      %run_scoped3A_211 = tpu.sem_alloc : memref<!tpu.dma_semaphore, #tpu.memory_space<semaphore_mem>>
      %dma_start3A_212 = arith.constant 0 : i32
      %dma_start3A_213 = tpu.memref_slice %arg14[%add3A_200, %dma_start3A_212] : memref<10240x128xf32, #tpu.memory_space<vmem_shared>> -> memref<160x128xf32, #tpu.memory_space<vmem_shared>>
      %dma_start3A_214 = arith.constant 0 : i32
      %dma_start3A_215 = tpu.memref_slice %arg14[%add3A_200, %dma_start3A_214] : memref<10240x128xf32, #tpu.memory_space<vmem_shared>> -> memref<160x128xf32, #tpu.memory_space<vmem_shared>>
      tpu.enqueue_dma source(%dma_start3A_215 : memref<160x128xf32, #tpu.memory_space<vmem_shared>>) target(%arg12 : memref<160x128xf32, #tpu.memory_space<vmem>>) target_semaphore(%run_scoped3A_211 : memref<!tpu.dma_semaphore, #tpu.memory_space<semaphore_mem>>)
      %dma_wait3A_216 = arith.constant 0 : i32
      %dma_wait3A_217 = tpu.memref_slice %arg14[%add3A_200, %dma_wait3A_216] : memref<10240x128xf32, #tpu.memory_space<vmem_shared>> -> memref<160x128xf32, #tpu.memory_space<vmem_shared>>
      %dma_wait3A_218 = arith.constant 0 : i32
      %dma_wait3A_219 = tpu.memref_slice %arg14[%add3A_200, %dma_wait3A_218] : memref<10240x128xf32, #tpu.memory_space<vmem_shared>> -> memref<160x128xf32, #tpu.memory_space<vmem_shared>>
      tpu.wait_dma2 semaphore(%run_scoped3A_211 : memref<!tpu.dma_semaphore, #tpu.memory_space<semaphore_mem>>) src(%dma_wait3A_219 : memref<160x128xf32, #tpu.memory_space<vmem_shared>>) dst(%arg12 : memref<160x128xf32, #tpu.memory_space<vmem>>)
      tpu.yield
    }) : () -> ()
    "tpu.region"() ({
      %run_scoped3A_211 = tpu.sem_alloc : memref<!tpu.dma_semaphore, #tpu.memory_space<semaphore_mem>>
      %dma_start3A_212 = arith.constant 0 : i32
      %dma_start3A_213 = tpu.memref_slice %arg5[%arg0, %add3A_200, %dma_start3A_212] : memref<2x10240x128xf32, #tpu.memory_space<hbm>> -> memref<1x160x128xf32, #tpu.memory_space<hbm>>
      %dma_start3A_214 = tpu.memref_squeeze %dma_start3A_213 : memref<1x160x128xf32, #tpu.memory_space<hbm>> -> memref<160x128xf32, #tpu.memory_space<hbm>>
      %dma_start3A_215 = arith.constant 0 : i32
      %dma_start3A_216 = tpu.memref_slice %arg5[%arg0, %add3A_200, %dma_start3A_215] : memref<2x10240x128xf32, #tpu.memory_space<hbm>> -> memref<1x160x128xf32, #tpu.memory_space<hbm>>
      %dma_start3A_217 = tpu.memref_squeeze %dma_start3A_216 : memref<1x160x128xf32, #tpu.memory_space<hbm>> -> memref<160x128xf32, #tpu.memory_space<hbm>>
      tpu.enqueue_dma source(%arg12 : memref<160x128xf32, #tpu.memory_space<vmem>>) target(%dma_start3A_217 : memref<160x128xf32, #tpu.memory_space<hbm>>) target_semaphore(%run_scoped3A_211 : memref<!tpu.dma_semaphore, #tpu.memory_space<semaphore_mem>>)
      %dma_wait3A_218 = arith.constant 0 : i32
      %dma_wait3A_219 = tpu.memref_slice %arg5[%arg0, %add3A_200, %dma_wait3A_218] : memref<2x10240x128xf32, #tpu.memory_space<hbm>> -> memref<1x160x128xf32, #tpu.memory_space<hbm>>
      %dma_wait3A_220 = tpu.memref_squeeze %dma_wait3A_219 : memref<1x160x128xf32, #tpu.memory_space<hbm>> -> memref<160x128xf32, #tpu.memory_space<hbm>>
      %dma_wait3A_221 = arith.constant 0 : i32
      %dma_wait3A_222 = tpu.memref_slice %arg5[%arg0, %add3A_200, %dma_wait3A_221] : memref<2x10240x128xf32, #tpu.memory_space<hbm>> -> memref<1x160x128xf32, #tpu.memory_space<hbm>>
      %dma_wait3A_223 = tpu.memref_squeeze %dma_wait3A_222 : memref<1x160x128xf32, #tpu.memory_space<hbm>> -> memref<160x128xf32, #tpu.memory_space<hbm>>
      tpu.wait_dma2 semaphore(%run_scoped3A_211 : memref<!tpu.dma_semaphore, #tpu.memory_space<semaphore_mem>>) src(%arg12 : memref<160x128xf32, #tpu.memory_space<vmem>>) dst(%dma_wait3A_223 : memref<160x128xf32, #tpu.memory_space<hbm>>)
      tpu.yield
    }) : () -> ()
    %mul3A_201 = arith.constant 640 : i32
    %mul3A_202 = arith.muli %arg1, %mul3A_201 : i32
    %add3A_203 = arith.constant 320 : i32
    %add3A_204 = arith.addi %mul3A_202, %add3A_203 : i32
    "tpu.region"() ({
      %run_scoped3A_211 = tpu.sem_alloc : memref<!tpu.dma_semaphore, #tpu.memory_space<semaphore_mem>>
      %dma_start3A_212 = arith.constant 0 : i32
      %dma_start3A_213 = tpu.memref_slice %arg14[%add3A_204, %dma_start3A_212] : memref<10240x128xf32, #tpu.memory_space<vmem_shared>> -> memref<160x128xf32, #tpu.memory_space<vmem_shared>>
      %dma_start3A_214 = arith.constant 0 : i32
      %dma_start3A_215 = tpu.memref_slice %arg14[%add3A_204, %dma_start3A_214] : memref<10240x128xf32, #tpu.memory_space<vmem_shared>> -> memref<160x128xf32, #tpu.memory_space<vmem_shared>>
      tpu.enqueue_dma source(%dma_start3A_215 : memref<160x128xf32, #tpu.memory_space<vmem_shared>>) target(%arg12 : memref<160x128xf32, #tpu.memory_space<vmem>>) target_semaphore(%run_scoped3A_211 : memref<!tpu.dma_semaphore, #tpu.memory_space<semaphore_mem>>)
      %dma_wait3A_216 = arith.constant 0 : i32
      %dma_wait3A_217 = tpu.memref_slice %arg14[%add3A_204, %dma_wait3A_216] : memref<10240x128xf32, #tpu.memory_space<vmem_shared>> -> memref<160x128xf32, #tpu.memory_space<vmem_shared>>
      %dma_wait3A_218 = arith.constant 0 : i32
      %dma_wait3A_219 = tpu.memref_slice %arg14[%add3A_204, %dma_wait3A_218] : memref<10240x128xf32, #tpu.memory_space<vmem_shared>> -> memref<160x128xf32, #tpu.memory_space<vmem_shared>>
      tpu.wait_dma2 semaphore(%run_scoped3A_211 : memref<!tpu.dma_semaphore, #tpu.memory_space<semaphore_mem>>) src(%dma_wait3A_219 : memref<160x128xf32, #tpu.memory_space<vmem_shared>>) dst(%arg12 : memref<160x128xf32, #tpu.memory_space<vmem>>)
      tpu.yield
    }) : () -> ()
    "tpu.region"() ({
      %run_scoped3A_211 = tpu.sem_alloc : memref<!tpu.dma_semaphore, #tpu.memory_space<semaphore_mem>>
      %dma_start3A_212 = arith.constant 0 : i32
      %dma_start3A_213 = tpu.memref_slice %arg5[%arg0, %add3A_204, %dma_start3A_212] : memref<2x10240x128xf32, #tpu.memory_space<hbm>> -> memref<1x160x128xf32, #tpu.memory_space<hbm>>
      %dma_start3A_214 = tpu.memref_squeeze %dma_start3A_213 : memref<1x160x128xf32, #tpu.memory_space<hbm>> -> memref<160x128xf32, #tpu.memory_space<hbm>>
      %dma_start3A_215 = arith.constant 0 : i32
      %dma_start3A_216 = tpu.memref_slice %arg5[%arg0, %add3A_204, %dma_start3A_215] : memref<2x10240x128xf32, #tpu.memory_space<hbm>> -> memref<1x160x128xf32, #tpu.memory_space<hbm>>
      %dma_start3A_217 = tpu.memref_squeeze %dma_start3A_216 : memref<1x160x128xf32, #tpu.memory_space<hbm>> -> memref<160x128xf32, #tpu.memory_space<hbm>>
      tpu.enqueue_dma source(%arg12 : memref<160x128xf32, #tpu.memory_space<vmem>>) target(%dma_start3A_217 : memref<160x128xf32, #tpu.memory_space<hbm>>) target_semaphore(%run_scoped3A_211 : memref<!tpu.dma_semaphore, #tpu.memory_space<semaphore_mem>>)
      %dma_wait3A_218 = arith.constant 0 : i32
      %dma_wait3A_219 = tpu.memref_slice %arg5[%arg0, %add3A_204, %dma_wait3A_218] : memref<2x10240x128xf32, #tpu.memory_space<hbm>> -> memref<1x160x128xf32, #tpu.memory_space<hbm>>
      %dma_wait3A_220 = tpu.memref_squeeze %dma_wait3A_219 : memref<1x160x128xf32, #tpu.memory_space<hbm>> -> memref<160x128xf32, #tpu.memory_space<hbm>>
      %dma_wait3A_221 = arith.constant 0 : i32
      %dma_wait3A_222 = tpu.memref_slice %arg5[%arg0, %add3A_204, %dma_wait3A_221] : memref<2x10240x128xf32, #tpu.memory_space<hbm>> -> memref<1x160x128xf32, #tpu.memory_space<hbm>>
      %dma_wait3A_223 = tpu.memref_squeeze %dma_wait3A_222 : memref<1x160x128xf32, #tpu.memory_space<hbm>> -> memref<160x128xf32, #tpu.memory_space<hbm>>
      tpu.wait_dma2 semaphore(%run_scoped3A_211 : memref<!tpu.dma_semaphore, #tpu.memory_space<semaphore_mem>>) src(%arg12 : memref<160x128xf32, #tpu.memory_space<vmem>>) dst(%dma_wait3A_223 : memref<160x128xf32, #tpu.memory_space<hbm>>)
      tpu.yield
    }) : () -> ()
    %mul3A_205 = arith.constant 640 : i32
    %mul3A_206 = arith.muli %arg1, %mul3A_205 : i32
    %add3A_207 = arith.constant 480 : i32
    %add3A_208 = arith.addi %mul3A_206, %add3A_207 : i32
    "tpu.region"() ({
      %run_scoped3A_211 = tpu.sem_alloc : memref<!tpu.dma_semaphore, #tpu.memory_space<semaphore_mem>>
      %dma_start3A_212 = arith.constant 0 : i32
      %dma_start3A_213 = tpu.memref_slice %arg14[%add3A_208, %dma_start3A_212] : memref<10240x128xf32, #tpu.memory_space<vmem_shared>> -> memref<160x128xf32, #tpu.memory_space<vmem_shared>>
      %dma_start3A_214 = arith.constant 0 : i32
      %dma_start3A_215 = tpu.memref_slice %arg14[%add3A_208, %dma_start3A_214] : memref<10240x128xf32, #tpu.memory_space<vmem_shared>> -> memref<160x128xf32, #tpu.memory_space<vmem_shared>>
      tpu.enqueue_dma source(%dma_start3A_215 : memref<160x128xf32, #tpu.memory_space<vmem_shared>>) target(%arg12 : memref<160x128xf32, #tpu.memory_space<vmem>>) target_semaphore(%run_scoped3A_211 : memref<!tpu.dma_semaphore, #tpu.memory_space<semaphore_mem>>)
      %dma_wait3A_216 = arith.constant 0 : i32
      %dma_wait3A_217 = tpu.memref_slice %arg14[%add3A_208, %dma_wait3A_216] : memref<10240x128xf32, #tpu.memory_space<vmem_shared>> -> memref<160x128xf32, #tpu.memory_space<vmem_shared>>
      %dma_wait3A_218 = arith.constant 0 : i32
      %dma_wait3A_219 = tpu.memref_slice %arg14[%add3A_208, %dma_wait3A_218] : memref<10240x128xf32, #tpu.memory_space<vmem_shared>> -> memref<160x128xf32, #tpu.memory_space<vmem_shared>>
      tpu.wait_dma2 semaphore(%run_scoped3A_211 : memref<!tpu.dma_semaphore, #tpu.memory_space<semaphore_mem>>) src(%dma_wait3A_219 : memref<160x128xf32, #tpu.memory_space<vmem_shared>>) dst(%arg12 : memref<160x128xf32, #tpu.memory_space<vmem>>)
      tpu.yield
    }) : () -> ()
    "tpu.region"() ({
      %run_scoped3A_211 = tpu.sem_alloc : memref<!tpu.dma_semaphore, #tpu.memory_space<semaphore_mem>>
      %dma_start3A_212 = arith.constant 0 : i32
      %dma_start3A_213 = tpu.memref_slice %arg5[%arg0, %add3A_208, %dma_start3A_212] : memref<2x10240x128xf32, #tpu.memory_space<hbm>> -> memref<1x160x128xf32, #tpu.memory_space<hbm>>
      %dma_start3A_214 = tpu.memref_squeeze %dma_start3A_213 : memref<1x160x128xf32, #tpu.memory_space<hbm>> -> memref<160x128xf32, #tpu.memory_space<hbm>>
      %dma_start3A_215 = arith.constant 0 : i32
      %dma_start3A_216 = tpu.memref_slice %arg5[%arg0, %add3A_208, %dma_start3A_215] : memref<2x10240x128xf32, #tpu.memory_space<hbm>> -> memref<1x160x128xf32, #tpu.memory_space<hbm>>
      %dma_start3A_217 = tpu.memref_squeeze %dma_start3A_216 : memref<1x160x128xf32, #tpu.memory_space<hbm>> -> memref<160x128xf32, #tpu.memory_space<hbm>>
      tpu.enqueue_dma source(%arg12 : memref<160x128xf32, #tpu.memory_space<vmem>>) target(%dma_start3A_217 : memref<160x128xf32, #tpu.memory_space<hbm>>) target_semaphore(%run_scoped3A_211 : memref<!tpu.dma_semaphore, #tpu.memory_space<semaphore_mem>>)
      %dma_wait3A_218 = arith.constant 0 : i32
      %dma_wait3A_219 = tpu.memref_slice %arg5[%arg0, %add3A_208, %dma_wait3A_218] : memref<2x10240x128xf32, #tpu.memory_space<hbm>> -> memref<1x160x128xf32, #tpu.memory_space<hbm>>
      %dma_wait3A_220 = tpu.memref_squeeze %dma_wait3A_219 : memref<1x160x128xf32, #tpu.memory_space<hbm>> -> memref<160x128xf32, #tpu.memory_space<hbm>>
      %dma_wait3A_221 = arith.constant 0 : i32
      %dma_wait3A_222 = tpu.memref_slice %arg5[%arg0, %add3A_208, %dma_wait3A_221] : memref<2x10240x128xf32, #tpu.memory_space<hbm>> -> memref<1x160x128xf32, #tpu.memory_space<hbm>>
      %dma_wait3A_223 = tpu.memref_squeeze %dma_wait3A_222 : memref<1x160x128xf32, #tpu.memory_space<hbm>> -> memref<160x128xf32, #tpu.memory_space<hbm>>
      tpu.wait_dma2 semaphore(%run_scoped3A_211 : memref<!tpu.dma_semaphore, #tpu.memory_space<semaphore_mem>>) src(%arg12 : memref<160x128xf32, #tpu.memory_space<vmem>>) dst(%dma_wait3A_223 : memref<160x128xf32, #tpu.memory_space<hbm>>)
      tpu.yield
    }) : () -> ()
    %mul3A_209 = arith.constant 10240 : i32
    %mul3A_210 = arith.muli %add3A, %mul3A_209 : i32
    "tpu.region"() ({
      %run_scoped3A_211 = tpu.sem_alloc : memref<!tpu.dma_semaphore, #tpu.memory_space<semaphore_mem>>
      %dma_start3A_212 = tpu.memref_slice %arg6[%mul3A_210] : memref<327680xf32, #tpu.memory_space<hbm>> -> memref<10240xf32, #tpu.memory_space<hbm>>
      %dma_start3A_213 = tpu.memref_slice %arg6[%mul3A_210] : memref<327680xf32, #tpu.memory_space<hbm>> -> memref<10240xf32, #tpu.memory_space<hbm>>
      tpu.enqueue_dma source(%arg13 : memref<10240xf32, #tpu.memory_space<vmem>>) target(%dma_start3A_213 : memref<10240xf32, #tpu.memory_space<hbm>>) target_semaphore(%run_scoped3A_211 : memref<!tpu.dma_semaphore, #tpu.memory_space<semaphore_mem>>)
      %dma_wait3A_214 = tpu.memref_slice %arg6[%mul3A_210] : memref<327680xf32, #tpu.memory_space<hbm>> -> memref<10240xf32, #tpu.memory_space<hbm>>
      %dma_wait3A_215 = tpu.memref_slice %arg6[%mul3A_210] : memref<327680xf32, #tpu.memory_space<hbm>> -> memref<10240xf32, #tpu.memory_space<hbm>>
      tpu.wait_dma2 semaphore(%run_scoped3A_211 : memref<!tpu.dma_semaphore, #tpu.memory_space<semaphore_mem>>) src(%arg13 : memref<10240xf32, #tpu.memory_space<vmem>>) dst(%dma_wait3A_215 : memref<10240xf32, #tpu.memory_space<hbm>>)
      tpu.yield
    }) : () -> ()
    return
  }
}

module attributes {stable_mosaic.version = 14 : i64} {
  func.func @_h1_body(%arg0: i32, %arg1: memref<1000x128xf32, #tpu.memory_space<vmem>>, %arg2: memref<128x128xf32, #tpu.memory_space<vmem>>, %arg3: memref<1000x128xf32, #tpu.memory_space<vmem>>) attributes {dimension_semantics = [#tpu.dimension_semantics<arbitrary>], iteration_bounds = array<i64: 10>, scalar_prefetch = 0 : i64, scratch_operands = 0 : i64, tpu.core_type = #tpu.core_type<tc>, window_params = [{transform_indices = @transform_0, window_bounds = array<i64: 1000, 128>}, {pipeline_mode = #tpu.pipeline_mode<synchronous>, transform_indices = @transform_1, window_bounds = array<i64: 128, 128>}, {transform_indices = @transform_2, window_bounds = array<i64: 1000, 128>}]} {
    %get3A = arith.constant 0 : index
    %get3A_0 = arith.constant 0 : index
    %get3A_1 = vector.load %arg1[%get3A, %get3A_0] : memref<1000x128xf32, #tpu.memory_space<vmem>>, vector<1000x128xf32>
    %get3A_2 = arith.constant 0 : index
    %get3A_3 = arith.constant 0 : index
    %get3A_4 = vector.load %arg2[%get3A_2, %get3A_3] : memref<128x128xf32, #tpu.memory_space<vmem>>, vector<128x128xf32>
    %dot_general3A = arith.constant dense<0.000000e+00> : vector<1000x128xf32>
    %dot_general3A_5 = tpu.matmul %get3A_1, %get3A_4, %dot_general3A {dimension_numbers = #tpu.dot_dimension_numbers<[1], [0], [0], [1], [0, 0, 1, 1], [], []>, transpose_lhs_hint = false} : vector<1000x128xf32>, vector<128x128xf32>, vector<1000x128xf32> -> vector<1000x128xf32>
    %max3A = arith.constant 0.000000e+00 : f32
    %max3A_6 = vector.broadcast %max3A : f32 to vector<1000x128xf32>
    %max3A_7 = arith.maximumf %dot_general3A_5, %max3A_6 : vector<1000x128xf32>
    %swap3A = arith.constant 0 : index
    %swap3A_8 = arith.constant 0 : index
    %swap3A_9 = vector.load %arg3[%swap3A, %swap3A_8] : memref<1000x128xf32, #tpu.memory_space<vmem>>, vector<1000x128xf32>
    tpu.vector_store %arg3[%swap3A, %swap3A_8], %max3A_7 {strides = array<i32>} : memref<1000x128xf32, #tpu.memory_space<vmem>>, vector<1000x128xf32>,
    return
  }
  func.func @transform_0(%arg0: i32) -> (i32, i32) {
    %c0_i32 = arith.constant 0 : i32
    %c0_i32_0 = arith.constant 0 : i32
    return %arg0, %c0_i32 : i32, i32
  }
  func.func @transform_1(%arg0: i32) -> (i32, i32) {
    %c0_i32 = arith.constant 0 : i32
    %c0_i32_0 = arith.constant 0 : i32
    %c0_i32_1 = arith.constant 0 : i32
    return %c0_i32, %c0_i32_0 : i32, i32
  }
  func.func @transform_2(%arg0: i32) -> (i32, i32) {
    %c0_i32 = arith.constant 0 : i32
    %c0_i32_0 = arith.constant 0 : i32
    return %arg0, %c0_i32 : i32, i32
  }
}

module attributes {stable_mosaic.version = 14 : i64} {
  func.func @_pool_body(%arg0: i32, %arg1: memref<2x1024x128xf32, #tpu.memory_space<vmem>>, %arg2: memref<32x1024xf32, #tpu.memory_space<vmem>>, %arg3: memref<1x1x1024xi32, #tpu.memory_space<vmem>>, %arg4: memref<128x128xf32, #tpu.memory_space<vmem>>, %arg5: memref<64x6xf32, #tpu.memory_space<vmem>>, %arg6: memref<144x10xf32, #tpu.memory_space<vmem>>, %arg7: memref<1x10xf32, #tpu.memory_space<vmem>>, %arg8: memref<64x1xi32, #tpu.memory_space<vmem>>, %arg9: memref<64x3968xf32, #tpu.memory_space<vmem>>, %arg10: memref<64x3968xf32, #tpu.memory_space<vmem>>, %arg11: memref<64x16xi32, #tpu.memory_space<vmem>>, %arg12: memref<64x16xf32, #tpu.memory_space<vmem>>, %arg13: memref<64x128xf32, #tpu.memory_space<vmem>>, %arg14: memref<64x1xf32, #tpu.memory_space<vmem>>) attributes {dimension_semantics = [#tpu.dimension_semantics<arbitrary>], iteration_bounds = array<i64: 10>, scalar_prefetch = 0 : i64, scratch_operands = 2 : i64, tpu.core_type = #tpu.core_type<tc>, window_params = [{transform_indices = @transform_0, window_bounds = array<i64: 2, 1024, 128>}, {transform_indices = @transform_1, window_bounds = array<i64: 32, 1024>}, {transform_indices = @transform_2, window_bounds = array<i64: 1, 1, 1024>}, {pipeline_mode = #tpu.pipeline_mode<synchronous>, transform_indices = @transform_3, window_bounds = array<i64: 128, 128>}, {pipeline_mode = #tpu.pipeline_mode<synchronous>, transform_indices = @transform_4, window_bounds = array<i64: 64, 6>}, {pipeline_mode = #tpu.pipeline_mode<synchronous>, transform_indices = @transform_5, window_bounds = array<i64: 144, 10>}, {pipeline_mode = #tpu.pipeline_mode<synchronous>, transform_indices = @transform_6, window_bounds = array<i64: 1, 10>}, {pipeline_mode = #tpu.pipeline_mode<synchronous>, transform_indices = @transform_7, window_bounds = array<i64: 64, 1>}, {pipeline_mode = #tpu.pipeline_mode<synchronous>, transform_indices = @transform_8, window_bounds = array<i64: 64, 3968>}, {pipeline_mode = #tpu.pipeline_mode<synchronous>, transform_indices = @transform_9, window_bounds = array<i64: 64, 3968>}, {pipeline_mode = #tpu.pipeline_mode<synchronous>, transform_indices = @transform_10, window_bounds = array<i64: 64, 16>}, {pipeline_mode = #tpu.pipeline_mode<synchronous>, transform_indices = @transform_11, window_bounds = array<i64: 64, 16>}]} {
    %eq3A = arith.constant 0 : i32
    %eq3A_0 = arith.cmpi eq, %arg0, %eq3A : i32
    %convert_element_type3A = arith.extui %eq3A_0 : i1 to i32
    %cond3A = arith.constant 0 : i32
    %cond3A_1 = arith.cmpi ne, %convert_element_type3A, %cond3A : i32
    scf.if %cond3A_1 {
      %broadcast_in_dim3A_65 = arith.constant 0.000000e+00 : f32
      %broadcast_in_dim3A_66 = vector.broadcast %broadcast_in_dim3A_65 : f32 to vector<64x128xf32>
      %swap3A_67 = arith.constant 0 : index
      %swap3A_68 = arith.constant 0 : index
      %swap3A_69 = vector.load %arg13[%swap3A_67, %swap3A_68] : memref<64x128xf32, #tpu.memory_space<vmem>>, vector<64x128xf32>
      tpu.vector_store %arg13[%swap3A_67, %swap3A_68], %broadcast_in_dim3A_66 {strides = array<i32>} : memref<64x128xf32, #tpu.memory_space<vmem>>, vector<64x128xf32>,
      %broadcast_in_dim3A_70 = arith.constant 0.000000e+00 : f32
      %broadcast_in_dim3A_71 = vector.broadcast %broadcast_in_dim3A_70 : f32 to vector<64x1xf32>
      %swap3A_72 = arith.constant 0 : index
      %swap3A_73 = arith.constant 0 : index
      %swap3A_74 = vector.load %arg14[%swap3A_72, %swap3A_73] : memref<64x1xf32, #tpu.memory_space<vmem>>, vector<64x1xf32>
      tpu.vector_store %arg14[%swap3A_72, %swap3A_73], %broadcast_in_dim3A_71 {strides = array<i32>} : memref<64x1xf32, #tpu.memory_space<vmem>>, vector<64x1xf32>,
    } else {
    }
    %get3A = arith.constant 0 : index
    %get3A_2 = arith.constant 0 : index
    %get3A_3 = arith.constant 0 : index
    %get3A_4 = vector.load %arg1[%get3A, %get3A_2, %get3A_3] : memref<2x1024x128xf32, #tpu.memory_space<vmem>>, vector<1x1024x128xf32>
    %get3A_5 = vector.shape_cast %get3A_4 : vector<1x1024x128xf32> to vector<1024x128xf32>
    %get3A_6 = arith.constant 1 : index
    %get3A_7 = arith.constant 0 : index
    %get3A_8 = arith.constant 0 : index
    %get3A_9 = vector.load %arg1[%get3A_6, %get3A_7, %get3A_8] : memref<2x1024x128xf32, #tpu.memory_space<vmem>>, vector<1x1024x128xf32>
    %get3A_10 = vector.shape_cast %get3A_9 : vector<1x1024x128xf32> to vector<1024x128xf32>
    %add3A = arith.addf %get3A_5, %get3A_10 : vector<1024x128xf32>
    %get3A_11 = arith.constant 0 : index
    %get3A_12 = arith.constant 0 : index
    %get3A_13 = vector.load %arg2[%get3A_11, %get3A_12] : memref<32x1024xf32, #tpu.memory_space<vmem>>, vector<32x1024xf32>
    %reduce_sum3A = arith.constant dense<0.000000e+00> : vector<1024xf32>
    %reduce_sum3A_14 = vector.multi_reduction <add>, %get3A_13, %reduce_sum3A [0] : vector<32x1024xf32> to vector<1024xf32>
    %broadcast_in_dim3A = vector.shape_cast %reduce_sum3A_14 : vector<1024xf32> to vector<1x1024xf32>
    %iota3A = tpu.iota {dimensions = array<i32: 0>} : vector<1024x1024xi32>
    %iota3A_15 = tpu.iota {dimensions = array<i32: 1>} : vector<1024x1024xi32>
    %eq3A_16 = arith.cmpi eq, %iota3A, %iota3A_15 : vector<1024x1024xi32>
    %convert_element_type3A_17 = arith.extui %eq3A_16 : vector<1024x1024xi1> to vector<1024x1024xi32>
    %convert_element_type3A_18 = arith.sitofp %convert_element_type3A_17 : vector<1024x1024xi32> to vector<1024x1024xf32>
    %dot_general3A = arith.constant dense<0.000000e+00> : vector<1024x1xf32>
    %dot_general3A_19 = tpu.matmul %convert_element_type3A_18, %broadcast_in_dim3A, %dot_general3A {dimension_numbers = #tpu.dot_dimension_numbers<[1], [1], [0], [0], [0, 0, 1, 0], [], []>, precision = #tpu.contract_precision<fp32>, transpose_lhs_hint = false} : vector<1024x1024xf32>, vector<1x1024xf32>, vector<1024x1xf32> -> vector<1024x1xf32>
    %max3A = arith.constant 1.000000e+00 : f32
    %max3A_20 = vector.broadcast %max3A : f32 to vector<1024x1xf32>
    %max3A_21 = arith.maximumf %dot_general3A_19, %max3A_20 : vector<1024x1xf32>
    %div3A = vector.broadcast %max3A_21 : vector<1024x1xf32> to vector<1024x128xf32>
    %div3A_22 = arith.divf %add3A, %div3A : vector<1024x128xf32>
    %get3A_23 = arith.constant 0 : index
    %get3A_24 = arith.constant 0 : index
    %get3A_25 = vector.load %arg4[%get3A_23, %get3A_24] : memref<128x128xf32, #tpu.memory_space<vmem>>, vector<128x128xf32>
    %dot_general3A_26 = arith.constant dense<0.000000e+00> : vector<1024x128xf32>
    %dot_general3A_27 = tpu.matmul %div3A_22, %get3A_25, %dot_general3A_26 {dimension_numbers = #tpu.dot_dimension_numbers<[1], [0], [0], [1], [0, 0, 1, 1], [], []>, transpose_lhs_hint = false} : vector<1024x128xf32>, vector<128x128xf32>, vector<1024x128xf32> -> vector<1024x128xf32>
    %max3A_28 = arith.constant 0.000000e+00 : f32
    %max3A_29 = vector.broadcast %max3A_28 : f32 to vector<1024x128xf32>
    %max3A_30 = arith.maximumf %dot_general3A_27, %max3A_29 : vector<1024x128xf32>
    %get3A_31 = arith.constant 0 : index
    %get3A_32 = arith.constant 0 : index
    %get3A_33 = arith.constant 0 : index
    %get3A_34 = vector.load %arg3[%get3A_31, %get3A_32, %get3A_33] : memref<1x1x1024xi32, #tpu.memory_space<vmem>>, vector<1x1x1024xi32>
    %get3A_35 = vector.shape_cast %get3A_34 : vector<1x1x1024xi32> to vector<1024xi32>
    %iota3A_36 = tpu.iota {dimensions = array<i32: 0>} : vector<64x1024xi32>
    %broadcast_in_dim3A_37 = vector.shape_cast %get3A_35 : vector<1024xi32> to vector<1x1024xi32>
    %eq3A_38 = vector.broadcast %broadcast_in_dim3A_37 : vector<1x1024xi32> to vector<64x1024xi32>
    %eq3A_39 = arith.cmpi eq, %iota3A_36, %eq3A_38 : vector<64x1024xi32>
    %convert_element_type3A_40 = arith.extui %eq3A_39 : vector<64x1024xi1> to vector<64x1024xi32>
    %convert_element_type3A_41 = arith.sitofp %convert_element_type3A_40 : vector<64x1024xi32> to vector<64x1024xf32>
    %get3A_42 = arith.constant 0 : index
    %get3A_43 = arith.constant 0 : index
    %get3A_44 = vector.load %arg13[%get3A_42, %get3A_43] : memref<64x128xf32, #tpu.memory_space<vmem>>, vector<64x128xf32>
    %dot_general3A_45 = arith.constant dense<0.000000e+00> : vector<64x128xf32>
    %dot_general3A_46 = tpu.matmul %convert_element_type3A_41, %max3A_30, %dot_general3A_45 {dimension_numbers = #tpu.dot_dimension_numbers<[1], [0], [0], [1], [0, 0, 1, 1], [], []>, precision = #tpu.contract_precision<fp32>, transpose_lhs_hint = false} : vector<64x1024xf32>, vector<1024x128xf32>, vector<64x128xf32> -> vector<64x128xf32>
    %add3A_47 = arith.addf %get3A_44, %dot_general3A_46 : vector<64x128xf32>
    %swap3A = arith.constant 0 : index
    %swap3A_48 = arith.constant 0 : index
    %swap3A_49 = vector.load %arg13[%swap3A, %swap3A_48] : memref<64x128xf32, #tpu.memory_space<vmem>>, vector<64x128xf32>
    tpu.vector_store %arg13[%swap3A, %swap3A_48], %add3A_47 {strides = array<i32>} : memref<64x128xf32, #tpu.memory_space<vmem>>, vector<64x128xf32>,
    %get3A_50 = arith.constant 0 : index
    %get3A_51 = arith.constant 0 : index
    %get3A_52 = vector.load %arg14[%get3A_50, %get3A_51] : memref<64x1xf32, #tpu.memory_space<vmem>>, vector<64x1xf32>
    %reduce_sum3A_53 = arith.constant dense<0.000000e+00> : vector<64xf32>
    %reduce_sum3A_54 = vector.multi_reduction <add>, %convert_element_type3A_41, %reduce_sum3A_53 [1] : vector<64x1024xf32> to vector<64xf32>
    %broadcast_in_dim3A_55 = vector.shape_cast %reduce_sum3A_54 : vector<64xf32> to vector<64x1xf32>
    %add3A_56 = arith.addf %get3A_52, %broadcast_in_dim3A_55 : vector<64x1xf32>
    %swap3A_57 = arith.constant 0 : index
    %swap3A_58 = arith.constant 0 : index
    %swap3A_59 = vector.load %arg14[%swap3A_57, %swap3A_58] : memref<64x1xf32, #tpu.memory_space<vmem>>, vector<64x1xf32>
    tpu.vector_store %arg14[%swap3A_57, %swap3A_58], %add3A_56 {strides = array<i32>} : memref<64x1xf32, #tpu.memory_space<vmem>>, vector<64x1xf32>,
    %eq3A_60 = arith.constant 9 : i32
    %eq3A_61 = arith.cmpi eq, %arg0, %eq3A_60 : i32
    %convert_element_type3A_62 = arith.extui %eq3A_61 : i1 to i32
    %cond3A_63 = arith.constant 0 : i32
    %cond3A_64 = arith.cmpi ne, %convert_element_type3A_62, %cond3A_63 : i32
    scf.if %cond3A_64 {
      %get3A_65 = arith.constant 0 : index
      %get3A_66 = arith.constant 0 : index
      %get3A_67 = vector.load %arg13[%get3A_65, %get3A_66] : memref<64x128xf32, #tpu.memory_space<vmem>>, vector<64x128xf32>
      %get3A_68 = arith.constant 0 : index
      %get3A_69 = arith.constant 0 : index
      %get3A_70 = vector.load %arg14[%get3A_68, %get3A_69] : memref<64x1xf32, #tpu.memory_space<vmem>>, vector<64x1xf32>
      %max3A_71 = arith.constant 1.000000e+00 : f32
      %max3A_72 = vector.broadcast %max3A_71 : f32 to vector<64x1xf32>
      %max3A_73 = arith.maximumf %get3A_70, %max3A_72 : vector<64x1xf32>
      %div3A_74 = vector.broadcast %max3A_73 : vector<64x1xf32> to vector<64x128xf32>
      %div3A_75 = arith.divf %get3A_67, %div3A_74 : vector<64x128xf32>
      %get3A_76 = arith.constant 0 : index
      %get3A_77 = arith.constant 0 : index
      %get3A_78 = vector.load %arg5[%get3A_76, %get3A_77] : memref<64x6xf32, #tpu.memory_space<vmem>>, vector<64x6xf32>
      %broadcast_in_dim3A_79 = arith.constant 0.000000e+00 : f32
      %broadcast_in_dim3A_80 = vector.broadcast %broadcast_in_dim3A_79 : f32 to vector<64x10xf32>
      %concatenate3A = tpu.concatenate %div3A_75, %get3A_78, %broadcast_in_dim3A_80 in 1 : vector<64x128xf32>, vector<64x6xf32>, vector<64x10xf32> -> vector<64x144xf32>
      %get3A_81 = arith.constant 0 : index
      %get3A_82 = arith.constant 0 : index
      %get3A_83 = vector.load %arg6[%get3A_81, %get3A_82] : memref<144x10xf32, #tpu.memory_space<vmem>>, vector<144x10xf32>
      %dot_general3A_84 = arith.constant dense<0.000000e+00> : vector<64x10xf32>
      %dot_general3A_85 = tpu.matmul %concatenate3A, %get3A_83, %dot_general3A_84 {dimension_numbers = #tpu.dot_dimension_numbers<[1], [0], [0], [1], [0, 0, 1, 1], [], []>, transpose_lhs_hint = false} : vector<64x144xf32>, vector<144x10xf32>, vector<64x10xf32> -> vector<64x10xf32>
      %get3A_86 = arith.constant 0 : index
      %get3A_87 = arith.constant 0 : index
      %get3A_88 = vector.load %arg7[%get3A_86, %get3A_87] : memref<1x10xf32, #tpu.memory_space<vmem>>, vector<1x10xf32>
      %add3A_89 = vector.broadcast %get3A_88 : vector<1x10xf32> to vector<64x10xf32>
      %add3A_90 = arith.addf %dot_general3A_85, %add3A_89 : vector<64x10xf32>
      %neg3A = arith.constant 0.000000e+00 : f32
      %neg3A_91 = vector.broadcast %neg3A : f32 to vector<64x10xf32>
      %neg3A_92 = arith.subf %neg3A_91, %add3A_90 : vector<64x10xf32>
      %exp3A = math.exp %neg3A_92 : vector<64x10xf32>
      %add3A_93 = arith.constant 1.000000e+00 : f32
      %add3A_94 = vector.broadcast %add3A_93 : f32 to vector<64x10xf32>
      %add3A_95 = arith.addf %add3A_94, %exp3A : vector<64x10xf32>
      %div3A_96 = arith.constant 1.000000e+00 : f32
      %div3A_97 = vector.broadcast %div3A_96 : f32 to vector<64x10xf32>
      %div3A_98 = arith.divf %div3A_97, %add3A_95 : vector<64x10xf32>
      %slice3A = vector.extract_strided_slice %div3A_98 {offsets = [0, 0], sizes = [64, 3], strides = [1, 1]} : vector<64x10xf32> to vector<64x3xf32>
      %mul3A = arith.constant 8.000000e+00 : f32
      %mul3A_99 = vector.broadcast %mul3A : f32 to vector<64x3xf32>
      %mul3A_100 = arith.mulf %mul3A_99, %slice3A : vector<64x3xf32>
      %add3A_101 = arith.constant 2.000000e+00 : f32
      %add3A_102 = vector.broadcast %add3A_101 : f32 to vector<64x3xf32>
      %add3A_103 = arith.addf %add3A_102, %mul3A_100 : vector<64x3xf32>
      %slice3A_104 = vector.extract_strided_slice %div3A_98 {offsets = [0, 3], sizes = [64, 7], strides = [1, 1]} : vector<64x10xf32> to vector<64x7xf32>
      %slice3A_105 = vector.extract_strided_slice %slice3A_104 {offsets = [0, 0], sizes = [64, 3], strides = [1, 1]} : vector<64x7xf32> to vector<64x3xf32>
      %mul3A_106 = arith.mulf %slice3A_105, %add3A_103 : vector<64x3xf32>
      %slice3A_107 = vector.extract_strided_slice %slice3A_104 {offsets = [0, 3], sizes = [64, 3], strides = [1, 1]} : vector<64x7xf32> to vector<64x3xf32>
      %mul3A_108 = arith.mulf %slice3A_107, %add3A_103 : vector<64x3xf32>
      %slice3A_109 = vector.extract_strided_slice %slice3A_104 {offsets = [0, 6], sizes = [64, 1], strides = [1, 1]} : vector<64x7xf32> to vector<64x1xf32>
      %sub3A = arith.subf %mul3A_106, %mul3A_108 : vector<64x3xf32>
      %mul3A_110 = arith.mulf %sub3A, %sub3A : vector<64x3xf32>
      %reduce_sum3A_111 = arith.constant dense<0.000000e+00> : vector<64xf32>
      %reduce_sum3A_112 = vector.multi_reduction <add>, %mul3A_110, %reduce_sum3A_111 [1] : vector<64x3xf32> to vector<64xf32>
      %broadcast_in_dim3A_113 = vector.shape_cast %reduce_sum3A_112 : vector<64xf32> to vector<64x1xf32>
      %sqrt3A = math.sqrt %broadcast_in_dim3A_113 : vector<64x1xf32>
      %add3A_114 = arith.constant 1.000000e-03 : f32
      %add3A_115 = vector.broadcast %add3A_114 : f32 to vector<64x1xf32>
      %add3A_116 = arith.addf %sqrt3A, %add3A_115 : vector<64x1xf32>
      %div3A_117 = arith.constant 3.430000e+02 : f32
      %div3A_118 = vector.broadcast %div3A_117 : f32 to vector<64x1xf32>
      %div3A_119 = arith.divf %add3A_116, %div3A_118 : vector<64x1xf32>
      %mul3A_120 = arith.constant 1.600000e+04 : f32
      %mul3A_121 = vector.broadcast %mul3A_120 : f32 to vector<64x1xf32>
      %mul3A_122 = arith.mulf %div3A_119, %mul3A_121 : vector<64x1xf32>
      %floor3A = math.floor %mul3A_122 : vector<64x1xf32>
      %convert_element_type3A_123 = arith.fptosi %floor3A : vector<64x1xf32> to vector<64x1xi32>
      %add3A_124 = arith.constant 40 : i32
      %add3A_125 = vector.broadcast %add3A_124 : i32 to vector<64x1xi32>
      %add3A_126 = arith.addi %convert_element_type3A_123, %add3A_125 : vector<64x1xi32>
      %mul3A_127 = arith.constant 8.000000e-01 : f32
      %mul3A_128 = vector.broadcast %mul3A_127 : f32 to vector<64x1xf32>
      %mul3A_129 = arith.mulf %mul3A_128, %slice3A_109 : vector<64x1xf32>
      %add3A_130 = arith.constant 2.000000e-01 : f32
      %add3A_131 = vector.broadcast %add3A_130 : f32 to vector<64x1xf32>
      %add3A_132 = arith.addf %add3A_131, %mul3A_129 : vector<64x1xf32>
      %mul3A_133 = arith.constant 1.600000e+04 : f32
      %mul3A_134 = vector.broadcast %mul3A_133 : f32 to vector<64x1xf32>
      %mul3A_135 = arith.mulf %add3A_132, %mul3A_134 : vector<64x1xf32>
      %div3A_136 = arith.constant 6.9077549 : f32
      %div3A_137 = vector.broadcast %div3A_136 : f32 to vector<64x1xf32>
      %div3A_138 = arith.divf %div3A_137, %mul3A_135 : vector<64x1xf32>
      %iota3A_139 = tpu.iota {dimensions = array<i32: 1>} : vector<64x3968xi32>
      %convert_element_type3A_140 = arith.sitofp %iota3A_139 : vector<64x3968xi32> to vector<64x3968xf32>
      %convert_element_type3A_141 = arith.sitofp %add3A_126 : vector<64x1xi32> to vector<64x1xf32>
      %sub3A_142 = vector.broadcast %convert_element_type3A_141 : vector<64x1xf32> to vector<64x3968xf32>
      %sub3A_143 = arith.subf %convert_element_type3A_140, %sub3A_142 : vector<64x3968xf32>
      %ge3A = arith.constant 0.000000e+00 : f32
      %ge3A_144 = vector.broadcast %ge3A : f32 to vector<64x3968xf32>
      %ge3A_145 = arith.cmpf oge, %sub3A_143, %ge3A_144 : vector<64x3968xf32>
      %neg3A_146 = arith.constant 0.000000e+00 : f32
      %neg3A_147 = vector.broadcast %neg3A_146 : f32 to vector<64x1xf32>
      %neg3A_148 = arith.subf %neg3A_147, %div3A_138 : vector<64x1xf32>
      %mul3A_149 = vector.broadcast %neg3A_148 : vector<64x1xf32> to vector<64x3968xf32>
      %mul3A_150 = arith.mulf %mul3A_149, %sub3A_143 : vector<64x3968xf32>
      %exp3A_151 = math.exp %mul3A_150 : vector<64x3968xf32>
      %jit3A = arith.constant 0.000000e+00 : f32
      %broadcast_in_dim3A_152 = vector.broadcast %jit3A : f32 to vector<64x3968xf32>
      %select_n3A = arith.select %ge3A_145, %exp3A_151, %broadcast_in_dim3A_152 : vector<64x3968xi1>, vector<64x3968xf32>
      %get3A_153 = arith.constant 0 : index
      %get3A_154 = arith.constant 0 : index
      %get3A_155 = vector.load %arg9[%get3A_153, %get3A_154] : memref<64x3968xf32, #tpu.memory_space<vmem>>, vector<64x3968xf32>
      %mul3A_156 = arith.mulf %select_n3A, %get3A_155 : vector<64x3968xf32>
      %div3A_157 = vector.broadcast %add3A_116 : vector<64x1xf32> to vector<64x3968xf32>
      %div3A_158 = arith.divf %mul3A_156, %div3A_157 : vector<64x3968xf32>
      %swap3A_159 = arith.constant 0 : index
      %swap3A_160 = arith.constant 0 : index
      %swap3A_161 = vector.load %arg10[%swap3A_159, %swap3A_160] : memref<64x3968xf32, #tpu.memory_space<vmem>>, vector<64x3968xf32>
      tpu.vector_store %arg10[%swap3A_159, %swap3A_160], %div3A_158 {strides = array<i32>} : memref<64x3968xf32, #tpu.memory_space<vmem>>, vector<64x3968xf32>,
      %slice3A_162 = vector.extract_strided_slice %add3A_103 {offsets = [0, 0], sizes = [64, 1], strides = [1, 1]} : vector<64x3xf32> to vector<64x1xf32>
      %slice3A_163 = vector.extract_strided_slice %add3A_103 {offsets = [0, 1], sizes = [64, 1], strides = [1, 1]} : vector<64x3xf32> to vector<64x1xf32>
      %mul3A_164 = arith.mulf %slice3A_162, %slice3A_163 : vector<64x1xf32>
      %slice3A_165 = vector.extract_strided_slice %add3A_103 {offsets = [0, 2], sizes = [64, 1], strides = [1, 1]} : vector<64x3xf32> to vector<64x1xf32>
      %mul3A_166 = arith.mulf %mul3A_164, %slice3A_165 : vector<64x1xf32>
      %sqrt3A_167 = math.sqrt %mul3A_166 : vector<64x1xf32>
      %mul3A_168 = arith.constant 2.000000e-03 : f32
      %mul3A_169 = vector.broadcast %mul3A_168 : f32 to vector<64x1xf32>
      %mul3A_170 = arith.mulf %mul3A_169, %sqrt3A_167 : vector<64x1xf32>
      %mul3A_171 = arith.constant 1.600000e+04 : f32
      %mul3A_172 = vector.broadcast %mul3A_171 : f32 to vector<64x1xf32>
      %mul3A_173 = arith.mulf %mul3A_170, %mul3A_172 : vector<64x1xf32>
      %floor3A_174 = math.floor %mul3A_173 : vector<64x1xf32>
      %convert_element_type3A_175 = arith.fptosi %floor3A_174 : vector<64x1xf32> to vector<64x1xi32>
      %sub3A_176 = arith.constant 40 : i32
      %sub3A_177 = vector.broadcast %sub3A_176 : i32 to vector<64x1xi32>
      %sub3A_178 = arith.subi %add3A_126, %sub3A_177 : vector<64x1xi32>
      %max3A_179 = arith.constant 0 : i32
      %max3A_180 = vector.broadcast %max3A_179 : i32 to vector<64x1xi32>
      %max3A_181 = arith.maxsi %sub3A_178, %max3A_180 : vector<64x1xi32>
      %get3A_182 = arith.constant 0 : index
      %get3A_183 = arith.constant 0 : index
      %get3A_184 = vector.load %arg8[%get3A_182, %get3A_183] : memref<64x1xi32, #tpu.memory_space<vmem>>, vector<64x1xi32>
      %sub3A_185 = arith.constant 40 : i32
      %sub3A_186 = vector.broadcast %sub3A_185 : i32 to vector<64x1xi32>
      %sub3A_187 = arith.subi %get3A_184, %sub3A_186 : vector<64x1xi32>
      %max3A_188 = arith.constant 0 : i32
      %max3A_189 = vector.broadcast %max3A_188 : i32 to vector<64x1xi32>
      %max3A_190 = arith.maxsi %sub3A_187, %max3A_189 : vector<64x1xi32>
      %sub3A_191 = arith.constant 3968 : i32
      %sub3A_192 = vector.broadcast %sub3A_191 : i32 to vector<64x1xi32>
      %sub3A_193 = arith.subi %sub3A_192, %max3A_181 : vector<64x1xi32>
      %sub3A_194 = arith.constant 3968 : i32
      %sub3A_195 = vector.broadcast %sub3A_194 : i32 to vector<64x1xi32>
      %sub3A_196 = arith.subi %sub3A_195, %max3A_190 : vector<64x1xi32>
      %min3A = arith.minsi %sub3A_193, %sub3A_196 : vector<64x1xi32>
      %gt3A = arith.cmpi sgt, %min3A, %convert_element_type3A_175 : vector<64x1xi32>
      %convert_element_type3A_197 = arith.extui %gt3A : vector<64x1xi1> to vector<64x1xi32>
      %sub3A_198 = arith.subi %min3A, %convert_element_type3A_175 : vector<64x1xi32>
      %min3A_199 = arith.constant 200 : i32
      %min3A_200 = vector.broadcast %min3A_199 : i32 to vector<64x1xi32>
      %min3A_201 = arith.minsi %sub3A_198, %min3A_200 : vector<64x1xi32>
      %broadcast_in_dim3A_202 = arith.constant 0 : i32
      %broadcast_in_dim3A_203 = vector.broadcast %broadcast_in_dim3A_202 : i32 to vector<64x10xi32>
      %concatenate3A_204 = tpu.concatenate %max3A_181, %max3A_190, %convert_element_type3A_175, %min3A_201, %min3A, %convert_element_type3A_197, %broadcast_in_dim3A_203 in 1 : vector<64x1xi32>, vector<64x1xi32>, vector<64x1xi32>, vector<64x1xi32>, vector<64x1xi32>, vector<64x1xi32>, vector<64x10xi32> -> vector<64x16xi32>
      %swap3A_205 = arith.constant 0 : index
      %swap3A_206 = arith.constant 0 : index
      %swap3A_207 = vector.load %arg11[%swap3A_205, %swap3A_206] : memref<64x16xi32, #tpu.memory_space<vmem>>, vector<64x16xi32>
      tpu.vector_store %arg11[%swap3A_205, %swap3A_206], %concatenate3A_204 {strides = array<i32>} : memref<64x16xi32, #tpu.memory_space<vmem>>, vector<64x16xi32>,
      %sub3A_208 = arith.constant 1 : i32
      %sub3A_209 = vector.broadcast %sub3A_208 : i32 to vector<64x1xi32>
      %sub3A_210 = arith.subi %min3A_201, %sub3A_209 : vector<64x1xi32>
      %max3A_211 = arith.constant 1 : i32
      %max3A_212 = vector.broadcast %max3A_211 : i32 to vector<64x1xi32>
      %max3A_213 = arith.maxsi %sub3A_210, %max3A_212 : vector<64x1xi32>
      %convert_element_type3A_214 = arith.sitofp %max3A_213 : vector<64x1xi32> to vector<64x1xf32>
      %div3A_215 = arith.constant 1.000000e+00 : f32
      %div3A_216 = vector.broadcast %div3A_215 : f32 to vector<64x1xf32>
      %div3A_217 = arith.divf %div3A_216, %convert_element_type3A_214 : vector<64x1xf32>
      %broadcast_in_dim3A_218 = arith.constant 0.000000e+00 : f32
      %broadcast_in_dim3A_219 = vector.broadcast %broadcast_in_dim3A_218 : f32 to vector<64x15xf32>
      %concatenate3A_220 = tpu.concatenate %div3A_217, %broadcast_in_dim3A_219 in 1 : vector<64x1xf32>, vector<64x15xf32> -> vector<64x16xf32>
      %swap3A_221 = arith.constant 0 : index
      %swap3A_222 = arith.constant 0 : index
      %swap3A_223 = vector.load %arg12[%swap3A_221, %swap3A_222] : memref<64x16xf32, #tpu.memory_space<vmem>>, vector<64x16xf32>
      tpu.vector_store %arg12[%swap3A_221, %swap3A_222], %concatenate3A_220 {strides = array<i32>} : memref<64x16xf32, #tpu.memory_space<vmem>>, vector<64x16xf32>,
    } else {
    }
    return
  }
  func.func @transform_0(%arg0: i32) -> (i32, i32, i32) {
    %c0_i32 = arith.constant 0 : i32
    %c0_i32_0 = arith.constant 0 : i32
    %c0_i32_1 = arith.constant 0 : i32
    return %c0_i32, %arg0, %c0_i32_0 : i32, i32, i32
  }
  func.func @transform_1(%arg0: i32) -> (i32, i32) {
    %c0_i32 = arith.constant 0 : i32
    %c0_i32_0 = arith.constant 0 : i32
    return %c0_i32, %arg0 : i32, i32
  }
  func.func @transform_2(%arg0: i32) -> (i32, i32, i32) {
    %c0_i32 = arith.constant 0 : i32
    %c0_i32_0 = arith.constant 0 : i32
    %c0_i32_1 = arith.constant 0 : i32
    return %arg0, %c0_i32, %c0_i32_0 : i32, i32, i32
  }
  func.func @transform_3(%arg0: i32) -> (i32, i32) {
    %c0_i32 = arith.constant 0 : i32
    %c0_i32_0 = arith.constant 0 : i32
    %c0_i32_1 = arith.constant 0 : i32
    return %c0_i32, %c0_i32_0 : i32, i32
  }
  func.func @transform_4(%arg0: i32) -> (i32, i32) {
    %c0_i32 = arith.constant 0 : i32
    %c0_i32_0 = arith.constant 0 : i32
    %c0_i32_1 = arith.constant 0 : i32
    return %c0_i32, %c0_i32_0 : i32, i32
  }
  func.func @transform_5(%arg0: i32) -> (i32, i32) {
    %c0_i32 = arith.constant 0 : i32
    %c0_i32_0 = arith.constant 0 : i32
    %c0_i32_1 = arith.constant 0 : i32
    return %c0_i32, %c0_i32_0 : i32, i32
  }
  func.func @transform_6(%arg0: i32) -> (i32, i32) {
    %c0_i32 = arith.constant 0 : i32
    %c0_i32_0 = arith.constant 0 : i32
    %c0_i32_1 = arith.constant 0 : i32
    return %c0_i32, %c0_i32_0 : i32, i32
  }
  func.func @transform_7(%arg0: i32) -> (i32, i32) {
    %c0_i32 = arith.constant 0 : i32
    %c0_i32_0 = arith.constant 0 : i32
    %c0_i32_1 = arith.constant 0 : i32
    return %c0_i32, %c0_i32_0 : i32, i32
  }
  func.func @transform_8(%arg0: i32) -> (i32, i32) {
    %c0_i32 = arith.constant 0 : i32
    %c0_i32_0 = arith.constant 0 : i32
    %c0_i32_1 = arith.constant 0 : i32
    return %c0_i32, %c0_i32_0 : i32, i32
  }
  func.func @transform_9(%arg0: i32) -> (i32, i32) {
    %c0_i32 = arith.constant 0 : i32
    %c0_i32_0 = arith.constant 0 : i32
    %c0_i32_1 = arith.constant 0 : i32
    return %c0_i32, %c0_i32_0 : i32, i32
  }
  func.func @transform_10(%arg0: i32) -> (i32, i32) {
    %c0_i32 = arith.constant 0 : i32
    %c0_i32_0 = arith.constant 0 : i32
    %c0_i32_1 = arith.constant 0 : i32
    return %c0_i32, %c0_i32_0 : i32, i32
  }
  func.func @transform_11(%arg0: i32) -> (i32, i32) {
    %c0_i32 = arith.constant 0 : i32
    %c0_i32_0 = arith.constant 0 : i32
    %c0_i32_1 = arith.constant 0 : i32
    return %c0_i32, %c0_i32_0 : i32, i32
  }
}

module attributes {stable_mosaic.version = 14 : i64} {
  func.func @_c2_body(%arg0: memref<64x16xi32, #tpu.memory_space<smem>>, %arg1: memref<64x16xf32, #tpu.memory_space<smem>>, %arg2: memref<64x3968xf32, #tpu.memory_space<vmem>>, %arg3: memref<64x8192xf32, #tpu.memory_space<vmem>>, %arg4: memref<64x3968xf32, #tpu.memory_space<vmem>>) attributes {dimension_semantics = [], scalar_prefetch = 0 : i64, scratch_operands = 0 : i64, tpu.core_type = #tpu.core_type<tc>} {
    %scan3A = arith.constant 0 : i32
    %scan3A_0 = arith.constant 64 : i32
    %scan3A_1 = arith.addi %scan3A, %scan3A_0 : i32
    %scan3A_2 = arith.constant 1 : i32
    scf.for %scan3A_4 = %scan3A to %scan3A_1 step %scan3A_2  : i32 {
      %get3A = arith.index_cast %scan3A_4 : i32 to index
      %get3A_5 = arith.constant 0 : index
      %get3A_6 = memref.load %arg0[%get3A, %get3A_5] : memref<64x16xi32, #tpu.memory_space<smem>>
      %get3A_7 = arith.index_cast %scan3A_4 : i32 to index
      %get3A_8 = arith.constant 1 : index
      %get3A_9 = memref.load %arg0[%get3A_7, %get3A_8] : memref<64x16xi32, #tpu.memory_space<smem>>
      %get3A_10 = arith.index_cast %scan3A_4 : i32 to index
      %get3A_11 = arith.constant 2 : index
      %get3A_12 = memref.load %arg0[%get3A_10, %get3A_11] : memref<64x16xi32, #tpu.memory_space<smem>>
      %get3A_13 = arith.index_cast %scan3A_4 : i32 to index
      %get3A_14 = arith.constant 3 : index
      %get3A_15 = memref.load %arg0[%get3A_13, %get3A_14] : memref<64x16xi32, #tpu.memory_space<smem>>
      %get3A_16 = arith.index_cast %scan3A_4 : i32 to index
      %get3A_17 = arith.constant 4 : index
      %get3A_18 = memref.load %arg0[%get3A_16, %get3A_17] : memref<64x16xi32, #tpu.memory_space<smem>>
      %get3A_19 = arith.index_cast %scan3A_4 : i32 to index
      %get3A_20 = arith.constant 5 : index
      %get3A_21 = memref.load %arg0[%get3A_19, %get3A_20] : memref<64x16xi32, #tpu.memory_space<smem>>
      %get3A_22 = arith.index_cast %scan3A_4 : i32 to index
      %get3A_23 = arith.constant 0 : index
      %get3A_24 = memref.load %arg1[%get3A_22, %get3A_23] : memref<64x16xf32, #tpu.memory_space<smem>>
      %sub3A = arith.subi %get3A_9, %get3A_6 : i32
      %add3A = arith.constant 3968 : i32
      %add3A_25 = arith.addi %sub3A, %add3A : i32
      %jit3A = arith.constant 128 : i32
      %div3A = arith.divsi %add3A_25, %jit3A : i32
      %sign3A = arith.constant 0 : i32
      %sign3A_26 = arith.cmpi sgt, %add3A_25, %sign3A : i32
      %sign3A_27 = arith.extui %sign3A_26 : i1 to i32
      %sign3A_28 = arith.constant 0 : i32
      %sign3A_29 = arith.cmpi slt, %add3A_25, %sign3A_28 : i32
      %sign3A_30 = arith.extui %sign3A_29 : i1 to i32
      %sign3A_31 = arith.subi %sign3A_27, %sign3A_30 : i32
      %sign3A_32 = arith.constant 0 : i32
      %sign3A_33 = arith.cmpi sgt, %jit3A, %sign3A_32 : i32
      %sign3A_34 = arith.extui %sign3A_33 : i1 to i32
      %sign3A_35 = arith.constant 0 : i32
      %sign3A_36 = arith.cmpi slt, %jit3A, %sign3A_35 : i32
      %sign3A_37 = arith.extui %sign3A_36 : i1 to i32
      %sign3A_38 = arith.subi %sign3A_34, %sign3A_37 : i32
      %ne3A = arith.cmpi ne, %sign3A_31, %sign3A_38 : i32
      %rem3A = arith.remsi %add3A_25, %jit3A : i32
      %ne3A_39 = arith.constant 0 : i32
      %ne3A_40 = arith.cmpi ne, %rem3A, %ne3A_39 : i32
      %and3A = arith.andi %ne3A, %ne3A_40 : i1
      %sub3A_41 = arith.constant 1 : i32
      %sub3A_42 = arith.subi %div3A, %sub3A_41 : i32
      %select_n3A = arith.select %and3A, %sub3A_42, %div3A : i32
      %mul3A = arith.constant 128 : i32
      %mul3A_43 = arith.muli %select_n3A, %mul3A : i32
      %multiple_of3A = tpu.assume_multiple %mul3A_43, 128 : i32
      %sub3A_44 = arith.subi %add3A_25, %multiple_of3A : i32
      %get3A_45 = arith.index_cast %scan3A_4 : i32 to index
      %get3A_46 = arith.index_cast %multiple_of3A : i32 to index
      %get3A_47 = vector.load %arg3[%get3A_45, %get3A_46] : memref<64x8192xf32, #tpu.memory_space<vmem>>, vector<1x4224xf32>
      %sub3A_48 = arith.constant 4224 : i32
      %sub3A_49 = arith.subi %sub3A_48, %sub3A_44 : i32
      %roll3A = tpu.dynamic_rotate %get3A_47 by %sub3A_49 dim 1 : vector<1x4224xf32>, i32 -> vector<1x4224xf32>
      %slice3A = vector.extract_strided_slice %roll3A {offsets = [0, 0], sizes = [1, 3968], strides = [1, 1]} : vector<1x4224xf32> to vector<1x3968xf32>
      %get3A_50 = arith.index_cast %scan3A_4 : i32 to index
      %get3A_51 = arith.constant 0 : index
      %get3A_52 = vector.load %arg2[%get3A_50, %get3A_51] : memref<64x3968xf32, #tpu.memory_space<vmem>>, vector<1x3968xf32>
      %iota3A = tpu.iota {dimensions = array<i32: 1>} : vector<1x3968xi32>
      %sub3A_53 = vector.broadcast %get3A_6 : i32 to vector<1x3968xi32>
      %sub3A_54 = arith.subi %iota3A, %sub3A_53 : vector<1x3968xi32>
      %sub3A_55 = vector.broadcast %get3A_12 : i32 to vector<1x3968xi32>
      %sub3A_56 = arith.subi %sub3A_54, %sub3A_55 : vector<1x3968xi32>
      %convert_element_type3A = arith.sitofp %sub3A_56 : vector<1x3968xi32> to vector<1x3968xf32>
      %mul3A_57 = vector.broadcast %get3A_24 : f32 to vector<1x3968xf32>
      %mul3A_58 = arith.mulf %convert_element_type3A, %mul3A_57 : vector<1x3968xf32>
      %ge3A = vector.broadcast %get3A_12 : i32 to vector<1x3968xi32>
      %ge3A_59 = arith.cmpi sge, %sub3A_54, %ge3A : vector<1x3968xi32>
      %add3A_60 = arith.addi %get3A_12, %get3A_15 : i32
      %lt3A = vector.broadcast %add3A_60 : i32 to vector<1x3968xi32>
      %lt3A_61 = arith.cmpi slt, %sub3A_54, %lt3A : vector<1x3968xi32>
      %and3A_62 = arith.andi %ge3A_59, %lt3A_61 : vector<1x3968xi1>
      %add3A_63 = arith.addi %get3A_12, %get3A_15 : i32
      %ge3A_64 = vector.broadcast %add3A_63 : i32 to vector<1x3968xi32>
      %ge3A_65 = arith.cmpi sge, %sub3A_54, %ge3A_64 : vector<1x3968xi32>
      %lt3A_66 = vector.broadcast %get3A_18 : i32 to vector<1x3968xi32>
      %lt3A_67 = arith.cmpi slt, %sub3A_54, %lt3A_66 : vector<1x3968xi32>
      %and3A_68 = arith.andi %ge3A_65, %lt3A_67 : vector<1x3968xi1>
      %sub3A_69 = arith.constant 1.000000e+00 : f32
      %sub3A_70 = vector.broadcast %sub3A_69 : f32 to vector<1x3968xf32>
      %sub3A_71 = arith.subf %sub3A_70, %mul3A_58 : vector<1x3968xf32>
      %mul3A_72 = arith.mulf %get3A_52, %sub3A_71 : vector<1x3968xf32>
      %mul3A_73 = arith.mulf %slice3A, %mul3A_58 : vector<1x3968xf32>
      %add3A_74 = arith.addf %mul3A_72, %mul3A_73 : vector<1x3968xf32>
      %select_n3A_75 = arith.select %and3A_68, %slice3A, %get3A_52 : vector<1x3968xi1>, vector<1x3968xf32>
      %select_n3A_76 = arith.select %and3A_62, %add3A_74, %select_n3A_75 : vector<1x3968xi1>, vector<1x3968xf32>
      %gt3A = arith.constant 0 : i32
      %gt3A_77 = arith.cmpi sgt, %get3A_21, %gt3A : i32
      %select_n3A_78 = arith.select %gt3A_77, %select_n3A_76, %get3A_52 : vector<1x3968xf32>
      %swap3A = arith.index_cast %scan3A_4 : i32 to index
      %swap3A_79 = arith.constant 0 : index
      %swap3A_80 = vector.load %arg4[%swap3A, %swap3A_79] : memref<64x3968xf32, #tpu.memory_space<vmem>>, vector<1x3968xf32>
      tpu.vector_store %arg4[%swap3A, %swap3A_79], %select_n3A_78 {strides = array<i32>} : memref<64x3968xf32, #tpu.memory_space<vmem>>, vector<1x3968xf32>,
    }
    %scan3A_3 = arith.constant 64 : i32
    return
  }
}

</mosaic_0001>

<sc_bundles>
// kernel: kernel.6.cloned.1.call-start
scs
__scs_entry_jumppad:
0x0: {  	(pc) =	sbr.rel $0x88, $3  }
0x1: {  	(tag) =	ssettag $0x0;
	lr =	simm.s32 $0x1  }
0x2: {  	[smem:$0x3F96] =	sst lr;
	_ =	strace $0xD0000000  }
0x3: {  	_ = 	snop  }
0x4: {  	_ = 	snop  }
0x5: {  	_ = 	snop  }
0x6: {  	_ = 	snop  }
0x7: {  	_ = 	snop  }
__scs_overlays_trampoline_lowered:
0x8: {  	[smem:$0x3FA5] =	sst s0  }
0x9: {  	[smem:$0x3FA6] =	sst s1  }
0xa: {  	[smem:$0x3FA7] =	sst s2  }
0xb: {  	[smem:$0x3FA8] =	sst s3  }
0xc: {  	[smem:$0x3FA9] =	sst s4  }
0xd: {  	[smem:$0x3FAA] =	sst s5  }
0xe: {  	[smem:$0x3FAB] =	sst s6  }
0xf: {  	[smem:$0x3FAC] =	sst s7  }
0x10: {  	[smem:$0x3FAD] =	sst s8  }
0x11: {  	[smem:$0x3FAE] =	sst s9;
	s0 =	simm.s32 @!p0 $0x0  }
0x12: {  	s1 =	sld [smem:$0x3F94];
	s0 =	simm.s32 @p0 $0x1  }
0x13: {  	[smem:$0x3FAF] =	sst s0;
	s0 =	simm.s32 @!p1 $0x0  }
0x14: {  	s2 =	sld [smem:$0x3F93];
	s0 =	simm.s32 @p1 $0x1  }
0x15: {  	[smem:$0x3FB0] =	sst s0;
	s0 =	simm.s32 @!p2 $0x0  }
0x16: {  	s3 =	sld [smem:$0x3FDB];
	s0 =	simm.s32 @p2 $0x1  }
0x17: {  	s4 =	simm.s32 $0x1BF5;
	[smem:$0x3FB2] =	sst s0  }
0x18: {  	s0 =	sld [smem:$0x3F95];
	_ =	swait.ge [sflag:s4], $0x0  }
0x19: {  	s7 =	sld [smem:$0x3F96]  }
0x1a: {  	s8 =	sadd.s32 $0xFFFFE003, lr  }
0x1b: {  	s9 =	sadd.s32 $0xFFFFFEF7, lr;
	s5 =	simm.s32 $0xFFFFFFFF;
	p2 =	slt.u32 s8, $0xFFFFF086  }
0x1c: {  	p1 =	slt.u32 s9, $0xF7A;
	s5 =	simm.s32 @!p2 $0x0  }
0x1d: {  	s5 =	simm.s32 @p1 $0x1;
	p0 =	seq.s32 s7, s2  }
0x1e: {  	s7 =	smul.u32 @!p0 $0xF7A, s2;
	p2 =	seq.s32 @!p0 s5, $0x0  }
0x1f: {  	s9 =	smul.u32 $0xF7A, s1;
	s8 =	simm.s32 @!p0 $0x1BF5;
	p2 =	por !p2, p0  }
0x20: {  	[sflag:s8] =	ssyncset.s32 @!p0 $0xFFFFF086;
	s6 =	sadd.s32 @!p0 s3, s7;
	s7 =	simm.s32 @!p0 $0x108  }
0x21: {  	s3 =	sadd.s32 s3, s9;
	s6 =	sadd.s32 @!p0 $0x88, s6;
	s7 =	simm.s32 @p2 $0x1082  }
0x22: {  	[simem:s7], [sflag:s8] =	dma.local @!p0 [hbm:s6], $0xF7A  }
0x23: {  	s9 =	sor.u32 $0xD0000000, s2;
	s6 =	simm.s32 $0x108;
	_ =	swait.ge @!p0 [sflag:s8], $0x0  }
0x24: {  	s3 =	sadd.s32 $0x88, s3;
	s6 =	simm.s32 @!p1 $0x1082;
	[sflag:s4] =	ssyncset.s32 $0xFFFFF086  }
0x25: {  	[simem:s6], [sflag:s4] =	dma.local [hbm:s3], $0xF7A  }
0x26: {  	[smem:$0x3F96] =	sst s1;
	(tag) =	ssettag s2;
	_ =	strace s9  }
0x27: {  	s1 =	sld [smem:$0x3FA6]  }
0x28: {  	s2 =	sld [smem:$0x3FA7]  }
0x29: {  	s4 =	sld [smem:$0x3FA9]  }
0x2a: {  	p0 =	seq.s32 s5, $0x0;
	s5 =	sld [smem:$0x3FAA]  }
0x2b: {  	s6 =	sld [smem:$0x3FAB]  }
0x2c: {  	s7 =	sld [smem:$0x3FAC]  }
0x2d: {  	s3 =	simm.s32 $0x108;
	s8 =	sld [smem:$0x3FAD]  }
0x2e: {  	s3 =	simm.s32 @!p0 $0x1082;
	s9 =	sld [smem:$0x3FAE]  }
0x2f: {  	lr =	sadd.s32 s0, s3;
	s0 =	sld [smem:$0x3FA5]  }
0x30: {  	s3 =	sld [smem:$0x3FA8]  }
0x31: {  	[smem:$0x3FB1] =	sst s10  }
0x32: {  	s10 =	sld [smem:$0x3FAF];
	_ =	sdelay $0x3  }
0x33: {  	p0 =	seq.s32 s10, $0x1;
	s10 =	sld [smem:$0x3FB1];
	_ =	sdelay $0x3  }
0x34: {  	[smem:$0x3FB1] =	sst s10  }
0x35: {  	s10 =	sld [smem:$0x3FB0];
	_ =	sdelay $0x3  }
0x36: {  	p1 =	seq.s32 s10, $0x1;
	s10 =	sld [smem:$0x3FB1];
	_ =	sdelay $0x3  }
0x37: {  	[smem:$0x3FB1] =	sst s10  }
0x38: {  	s10 =	sld [smem:$0x3FB2]  }
0x39: {  	_ = 	snop;
	(pc) =	sbr.ind lr, $3  }
0x3a: {  	_ = 	snop  }
0x3b: {  	_ = 	snop  }
0x3c: {  	p2 =	seq.s32 s10, $0x1;
	s10 =	sld [smem:$0x3FB1]  }
0x3d: {  	_ =	shalt  }
0x3e: {  	_ =	shalt  }
0x3f: {  	_ =	shalt  }
0x40: {  	_ =	shalt  }
0x41: {  	_ =	shalt  }
0x42: {  	_ =	shalt  }
0x43: {  	_ =	shalt  }
0x44: {  	_ =	shalt  }
0x45: {  	_ =	shalt  }
0x46: {  	_ =	shalt  }
0x47: {  	_ =	shalt  }
0x48: {  	_ =	shalt  }
0x49: {  	_ =	shalt  }
0x4a: {  	_ =	shalt  }
0x4b: {  	_ =	shalt  }
0x4c: {  	_ =	shalt  }
0x4d: {  	_ =	shalt  }
0x4e: {  	_ =	shalt  }
0x4f: {  	_ =	shalt  }
0x50: {  	_ =	shalt  }
0x51: {  	_ =	shalt  }
0x52: {  	_ =	shalt  }
0x53: {  	_ =	shalt  }
0x54: {  	_ =	shalt  }
0x55: {  	_ =	shalt  }
0x56: {  	_ =	shalt  }
0x57: {  	_ =	shalt  }
0x58: {  	_ =	shalt  }
0x59: {  	_ =	shalt  }
0x5a: {  	_ =	shalt  }
0x5b: {  	_ =	shalt  }
0x5c: {  	_ =	shalt  }
0x5d: {  	_ =	shalt  }
0x5e: {  	_ =	shalt  }
0x5f: {  	_ =	shalt  }
0x60: {  	_ =	shalt  }
0x61: {  	_ =	shalt  }
0x62: {  	_ =	shalt  }
0x63: {  	_ =	shalt  }
0x64: {  	_ =	shalt  }
0x65: {  	_ =	shalt  }
0x66: {  	_ =	shalt  }
0x67: {  	_ =	shalt  }
0x68: {  	_ =	shalt  }
0x69: {  	_ =	shalt  }
0x6a: {  	_ =	shalt  }
0x6b: {  	_ =	shalt  }
0x6c: {  	_ =	shalt  }
0x6d: {  	_ =	shalt  }
0x6e: {  	_ =	shalt  }
0x6f: {  	_ =	shalt  }
0x70: {  	_ =	shalt  }
0x71: {  	_ =	shalt  }
0x72: {  	_ =	shalt  }
0x73: {  	_ =	shalt  }
0x74: {  	_ =	shalt  }
0x75: {  	_ =	shalt  }
0x76: {  	_ =	shalt  }
0x77: {  	_ =	shalt  }
0x78: {  	_ =	shalt  }
0x79: {  	_ =	shalt  }
0x7a: {  	_ =	shalt  }
0x7b: {  	_ =	shalt  }
0x7c: {  	_ =	shalt  }
0x7d: {  	_ =	shalt  }
0x7e: {  	_ =	shalt  }
0x7f: {  	_ =	shalt  }
0x80: {  	_ =	shalt  }
0x81: {  	_ =	shalt  }
0x82: {  	_ =	shalt  }
0x83: {  	_ =	shalt  }
0x84: {  	_ =	shalt  }
0x85: {  	_ =	shalt  }
0x86: {  	_ =	shalt  }
0x87: {  	_ =	shalt  }
.Lfunc_end0:
.L_simem_size_0:
called_computation_lowered:
.L_overlay_start_0:
0x88: {  	s2 =	sld [smem:$0x3FD9]  }
0x89: {  	s3 =	sld [smem:$0x3FFE];
	_ =	sdelay $0x1  }
0x8a: {  	s1 =	srdreg.scid  }
0x8b: {  	s0 =	sand.u32 $0x1, s1  }
0x8c: {  	s14 =	sshll.u32 s0, $0xA;
	s2 =	sadd.s32 s3, s2  }
0x8d: {  	s2 =	sadd.s32 s2, s14  }
0x8e: {  	[smem:$0x3FBD] =	sst s2  }
0x8f: {  	_ = 	snop  }
0x90: {  	s2 =	sld [smem:$0x3FD0];
	_ =	sdelay $0x2  }
0x91: {  	s15 =	simm.s32 $0xA;
	s4 =	simm.s32 $0x10  }
0x92: {  	[smem:s4], [sflag:s15] =	dma.local [hbm:s2], $0x1  }
0x93: {  	_ =	swait.eq [sflag:s15], $0x1  }
0x94: {  	[sflag:s15] =	ssyncset.done $0x0  }
0x95: {  	[sflag:s15] =	ssyncadd.s32 $0xFFFFFFFF  }
0x96: {  	s16 =	sld [smem:$0x11];
	(tm) =	ssettm $0x1  }
0x97: {  	s17 =	sld [smem:$0x3FFB];
	_ =	sdelay $0x3  }
0x98: {  	_ =	strace s17  }
0x99: {  	s3 =	sld [smem:$0x3FFC];
	_ =	sdelay $0x3  }
0x9a: {  	_ =	strace s3  }
0x9b: {  	s3 =	sld [smem:$0x3FFD];
	_ =	sdelay $0x3  }
0x9c: {  	_ =	strace s3  }
0x9d: {  	_ =	strace $0x8FFFFFFF  }
0x9e: {  	s18 =	sld [smem:$0x3FDB];
	_ =	sdelay $0x1  }
0x9f: {  	s19 =	simm.s32 $_scs_section_size  }
0xa0: {  	s5 =	simm.s32 $_size__tile_overlayer_lowered;
	s6 =	simm.s32 $_tile_overlayer_lowered  }
0xa1: {  	s22 =	simm.s32 $0x1BFF;
	s21 =	sshll.u32 s6, $0x1;
	s3 =	sadd.s32 s19, s18  }
0xa2: {  	s7 =	simm.s32 $0x0;
	s20 =	sshll.u32 s5, $0x1;
	s5 =	sadd.s32 s21, s3  }
0xa3: {  	[timem:s7], [sflag:s22] =	dma.local [hbm:s5], s20  }
0xa4: {  	_ =	swait.ge [sflag:s22], s20  }
0xa5: {  	s4 =	ssub.s32 $0x0, s20;
	[sflag:s22] =	ssyncset.done $0x0  }
0xa6: {  	[sflag:s22] =	ssyncadd.s32 s4;
	_ =	sdelay $0x1  }
0xa7: {  	s23 =	simm.s32 $0x1B8B  }
0xa8: {  	_ =	swait.ge [sflag:s23], $0x1  }
0xa9: {  	[sflag:s23] =	ssyncset.done $0x0  }
0xaa: {  	s25 =	simm.s32 $0x1B8E;
	s24 =	sld [smem:$0x3FFE];
	[sflag:s23] =	ssyncadd.s32 $0xFFFFFFFF  }
0xab: {  	s26 =	simm.s32 $execute0_lowered;
	[smem:$0x3FD2] =	sst s25  }
0xac: {  	s5 =	sshll.u32 s26, $0x1;
	_ =	strace $0x80000046;
	[dreg:$0x1] =	wrdreg $0xFFFFFFFF  }
0xad: {  	s28 =	simm.s32 $_size_execute0_lowered;
	s3 =	sadd.s32 s3, s5;
	[dreg:$0x0] =	wrdreg $0x0  }
0xae: {  	s5 =	sshll.u32 s28, $0x1;
	[dreg:$0x2] =	wrdreg s3  }
0xaf: {  	[dreg:$0x3] =	wrdreg s5  }
0xb0: {  	[dreg:$0x4] =	wrdreg $0xC0  }
0xb1: {  	_ =	task [dreg:s7], $0x5FFFF  }
0xb2: {  	[dreg:$0x1] =	wrdreg $0xFFFFFFFF  }
0xb3: {  	[dreg:$0x0] =	wrdreg $0x60  }
0xb4: {  	[dreg:$0x2] =	wrdreg s24  }
0xb5: {  	[dreg:$0x3] =	wrdreg s16  }
0xb6: {  	[dreg:$0x4] =	wrdreg $0xBA000  }
0xb7: {  	[dreg:$0x5] =	wrdreg $0x9  }
0xb8: {  	_ =	task.clear_ibuf [dreg:s7], $0x6FFFF;
	_ =	strace $0x90000046  }
0xb9: {  	s29 =	simm.s32 $0x9;
	_ =	strace $0x80000048  }
0xba: {  	_ =	swait.ge [sflag:s29], $0x1  }
0xbb: {  	[sflag:s29] =	ssyncadd.s32 $0xFFFFFFFF  }
0xbc: {  	_ =	strace $0x90000048  }
0xbd: {  	_ =	sfence  }
0xbe: {  	s30 =	sld [smem:$0x0];
	_ =	sdelay $0x2  }
0xbf: {  	s31 =	sshll.u32 s1, $0xD;
	s1 =	sshrl.u32 s1, $0x2  }
0xc0: {  	s3 =	sand.u32 $0x4000, s31;
	s1 =	sadd.s32 s1, s30  }
0xc1: {  	s0 =	sor.u32 s3, s0;
	s1 =	sshll.u32 s1, $0x11  }
0xc2: {  	s0 =	sor.u32 s1, s0  }
0xc3: {  	s0 =	sadd.s32 $0x8F2B, s0  }
0xc4: {  	[sflag:s0] =	ssyncadd.remote.s32 $0x1  }
0xc5: {  	_ =	sfence.sel $0xFFFF  }
0xc6: {  	[dreg:$0x0] =	wrdreg $0xFFFFFFFF;
	(pc) =	sbr.abs _section_cstart, $3  }
0xc7: {  	[dreg:$0x1] =	wrdreg $0xFFFFFFFF  }
0xc8: {  	_ =	task.clear_ibuf [dreg:s7], $0x2FFFF;
	_ =	strace $0x9FFFFFFF  }
0xc9: {  	(tm) =	ssettm $0x7FFFFFFF  }
tec
execute0_lowered:
.L_overlay_start_1:
0x0: {  	(tag) =	ssettag $0x1  }
0x1: {  	s0 =	rddreg [dreg:$0x0]  }
0x2: {  	s2 =	rddreg [dreg:$0x2]  }
0x3: {  	s1 =	srdreg.scid;
	s4 =	simm.s32 $0x0;
	s11 =	stileid.u32  }
0x4: {  	s19 =	simm.s32 $0x200;
	s20 =	simm.s32 $0x2;
	s21 =	simm.s32 $0x4200  }
0x5: {  	s22 =	simm.s32 $0x80;
	s23 =	simm.s32 $0x1;
	s24 =	simm.s32 $0x180  }
0x6: {  	s25 =	simm.s32 $0x10;
	s28 =	simm.s32 $0x9200;
	s29 =	simm.s32 $0x0  }
0x7: {  	s1 =	sand.u32 $0x1, s1;
	[smem:$0x7FF] =	sst s4;
	s5 =	sadd.s32 $0xB800, s0  }
0x8: {  	s6 =	sadd.s32 $0x1A00, s0;
	s9 =	smul.u32 $0x50000, s11;
	s16 =	sadd.s32 $0x3CA00, s0  }
0x9: {  	s3 =	sshll.u32 s1, $0x4;
	s8 =	ssub.s32 $0x2, s1;
	s1 =	smul.u32 $0x140000, s1  }
0xa: {  	_ =	strace $0x80000047;
	s3 =	sor.u32 s11, s3;
	s11 =	smul.u32 $0x14000, s11  }
0xb: {  	s10 =	sshrl.u32 s8, $0x1;
	s30 =	sshrl.u32 s9, $0x2;
	s7 =	smul.u32 $0x500, s3  }
0xc: {  	s18 =	ssub.s32 s8, s10;
	s8 =	sadd.s32 s30, s2;
	s14 =	sadd.s32 $0x5000, s11  }
0xd: {  	s31 =	sadd.s32 $0xA000, s11;
	s13 =	sadd.s32 s11, s1;
	s15 =	sadd.s32 $0xF000, s11  }
0xe: {  	s18 =	smax.u32 s18, $0x1;
	s0 =	sadd.s32 s7, s0;
	s7 =	smul.u32 $0x2710, s3  }
0xf: {  	s9 =	sadd.s32 s14, s2;
	s10 =	sadd.s32 s31, s2;
	s13 =	sshrl.u32 s13, $0x3  }
0x10: {  	s11 =	sadd.s32 s15, s2;
	s14 =	sadd.s32 s1, s14;
	s3 =	sadd.s32 s1, s31  }
0x11: {  	s1 =	sadd.s32 s1, s15;
	s13 =	sadd.s32 s16, s13;
	s14 =	sshrl.u32 s14, $0x3  }
0x12: {  	s3 =	sshrl.u32 s3, $0x3;
	s1 =	sshrl.u32 s1, $0x3;
	s12 =	sshrl.u32 s7, $0x3  }
0x13: {  	s17 =	sadd.s32 $0x32A00, s0;
	s14 =	sadd.s32 s16, s14;
	s12 =	sadd.s32 s6, s12  }
0x14: {  	s15 =	sadd.s32 s16, s3;
	s16 =	sadd.s32 s16, s1;
	s12 =	sadd.s32 $0x4E0, s12  }
.LBB2_1:
0x15: {  	s0 =	rddreg [dreg:$0x1]  }
0x16: {  	[tilespmem:s19], [sflag:$0x2] =	stream.linear.gather [hbm4b:s0+s4], $0x10, $0x38;
	[tilespmem:$0x1FA00] =	vst v63  }
0x17: {  	_ =	swait.ge [sflag:s20], $0x10  }
0x18: {  	[sflag:s20] =	ssyncset.done $0x0  }
0x19: {  	[sflag:s20] =	ssyncadd.s32 $0xFFFFFFF0  }
0x1a: {  	v0 =	vld [tilespmem:$0x200];
	_ =	sdelay $0x3  }
0x1b: {  	s31 =	sand.u32 $0x1FE00, s4  }
0x1c: {  	s1 =	sand.u32 $0x70, s4;
	s3 =	sshrl.u32 s31, $0x2;
	v1 =	vsub.f32 v0, v0  }
0x1d: {  	s0 =	simm.s32 $0x40;
	s1 =	sor.u32 s1, s3;
	s3 =	simm.s32 $0x0  }
.LBB2_2:
0x1e: {  	p0 =	sne.s32 s0, $0x13FC0  }
0x1f: {  	[tilespmem:s1+$0x4200] =	vst v1;
	s3 =	sadd.s32 $0x10, s3;
	s1 =	smov.u32 s0;
	s0 =	sadd.s32 $0x40, s0  }
.Ltmp0:
0x20: {  	(pc) =	sbr.rel @p0 .LBB2_2-.Ltmp0, $4  }
0x21: {  	_ = 	snop  }
0x22: {  	s1 =	sand.u32 $0x1FE00, s1  }
0x23: {  	s30 =	sand.u32 $0x70, s3;
	s1 =	sshrl.u32 s1, $0x2  }
0x24: {  	s1 =	sor.u32 s30, s1  }
0x25: {  	[tilespmem:s1+$0x4200] =	vst v1  }
0x26: {  	[spmem:s8] =	stream.linear.scatter [tilespmem:s21], [sflag:$0x2], $0x5000, $0x38;
	[tilespmem:$0x1FA00] =	vst v63  }
0x27: {  	_ =	swait.ge [sflag:s20], $0x5000  }
0x28: {  	[sflag:s20] =	ssyncset.done $0x0  }
0x29: {  	[sflag:s20] =	ssyncadd.s32 $0xFFFFB000  }
0x2a: {  	[spmem:s9] =	stream.linear.scatter [tilespmem:s21], [sflag:$0x2], $0x5000, $0x38;
	[tilespmem:$0x1FA00] =	vst v63  }
0x2b: {  	_ =	swait.ge [sflag:s20], $0x5000  }
0x2c: {  	[sflag:s20] =	ssyncset.done $0x0  }
0x2d: {  	[sflag:s20] =	ssyncadd.s32 $0xFFFFB000  }
0x2e: {  	[spmem:s10] =	stream.linear.scatter [tilespmem:s21], [sflag:$0x2], $0x5000, $0x38;
	[tilespmem:$0x1FA00] =	vst v63  }
0x2f: {  	_ =	swait.ge [sflag:s20], $0x5000  }
0x30: {  	[sflag:s20] =	ssyncset.done $0x0  }
0x31: {  	[sflag:s20] =	ssyncadd.s32 $0xFFFFB000  }
0x32: {  	[spmem:s11] =	stream.linear.scatter [tilespmem:s21], [sflag:$0x2], $0x5000, $0x38;
	[tilespmem:$0x1FA00] =	vst v63  }
0x33: {  	_ =	swait.ge [sflag:s20], $0x5000  }
0x34: {  	[sflag:s20] =	ssyncset.done $0x0  }
0x35: {  	s0 =	simm.s32 $0x40;
	s1 =	simm.s32 $0x0;
	[sflag:s20] =	ssyncadd.s32 $0xFFFFB000  }
.LBB2_4:
0x36: {  	p0 =	sne.s32 s0, $0x9FC0;
	[tilespmem:s1+$0x9200] =	vst v1;
	s1 =	smov.u32 s0;
	s0 =	sadd.s32 $0x40, s0  }
.Ltmp1:
0x37: {  	(pc) =	sbr.rel @p0 .LBB2_4-.Ltmp1, $2  }
0x38: {  	_ =	sdelay $0x2  }
0x39: {  	s1 =	sshra.s32 s1, $0x2  }
0x3a: {  	[tilespmem:s1+$0x9200] =	vst v1  }
0x3b: {  	s30 =	simm.s32 $0x0;
	s31 =	simm.s32 $0x0;
	[bflag:$0x0] =	sbarrier.arrive $0xFFFF  }
.LBB2_6:
0x3c: {  	s0 =	sshll.u32 s31, $0x7  }
0x3d: {  	s0 =	sadd.s32 s7, s0  }
0x3e: {  	s0 =	sshrl.u32 s0, $0x3  }
0x3f: {  	s0 =	sadd.s32 s6, s0  }
0x40: {  	[tilespmem:s22], [sflag:$0x2] =	stream.linear.gather [hbm4b:s0+s30], $0x80, $0x38;
	[tilespmem:$0x1FA00] =	vst v63  }
0x41: {  	_ =	swait.ge [sflag:s20], $0x80  }
0x42: {  	[sflag:s20] =	ssyncset.done $0x0  }
0x43: {  	[sflag:s20] =	ssyncadd.s32 $0xFFFFFF80  }
0x44: {  	v1 =	vld [tilespmem:$0x80];
	_ =	sdelay $0x1  }
0x45: {  	v2 =	vld [tilespmem:$0x90];
	_ =	sdelay $0x1  }
0x46: {  	v3 =	vld [tilespmem:$0xA0]  }
0x47: {  	v4 =	vand.u32 $0xFFFF, v1  }
0x48: {  	v62 =	vld [tilespmem:$0xB0];
	v1 =	vshra.s32 v1, $0x10;
	[tilespmem:$0x0] =	vst v4  }
0x49: {  	[tilespmem:$0x80] =	vst v1;
	v1 =	vand.u32 $0xFFFF, v2  }
0x4a: {  	[tilespmem:$0x10] =	vst v1;
	v1 =	vshra.s32 v2, $0x10;
	v2 =	vld [tilespmem:$0xC0]  }
0x4b: {  	[tilespmem:$0x90] =	vst v1;
	v1 =	vand.u32 $0xFFFF, v3  }
0x4c: {  	[tilespmem:$0x20] =	vst v1;
	v1 =	vshra.s32 v3, $0x10;
	v3 =	vld [tilespmem:$0xD0]  }
0x4d: {  	[tilespmem:$0xA0] =	vst v1;
	v1 =	vand.u32 $0xFFFF, v62  }
0x4e: {  	v63 =	vld [tilespmem:$0xE0];
	[tilespmem:$0x30] =	vst v1;
	v1 =	vshra.s32 v62, $0x10  }
0x4f: {  	[tilespmem:$0xB0] =	vst v1;
	v1 =	vand.u32 $0xFFFF, v2  }
0x50: {  	[tilespmem:$0x40] =	vst v1;
	v1 =	vshra.s32 v2, $0x10;
	v2 =	vld [tilespmem:$0xF0]  }
0x51: {  	[tilespmem:$0xC0] =	vst v1;
	v1 =	vand.u32 $0xFFFF, v3  }
0x52: {  	[tilespmem:$0x50] =	vst v1;
	v1 =	vshra.s32 v3, $0x10  }
0x53: {  	[tilespmem:$0xD0] =	vst v1;
	v1 =	vand.u32 $0xFFFF, v63  }
0x54: {  	[tilespmem:$0x60] =	vst v1;
	v1 =	vshra.s32 v63, $0x10  }
0x55: {  	[tilespmem:$0xE0] =	vst v1;
	v1 =	vand.u32 $0xFFFF, v2  }
0x56: {  	[tilespmem:$0x70] =	vst v1;
	v1 =	vshra.s32 v2, $0x10  }
0x57: {  	[tilespmem:$0xF0] =	vst v1  }
0x58: {  	[tilespmem:s19], [sflag:$0x1] =	stream.indirect.gather [hbm4b:s5+s22], $0x80, s30, s22, $0xb8;
	[tilespmem:$0x1FA00] =	vst v63  }
0x59: {  	_ =	swait.ge [sflag:s23], $0x4000  }
0x5a: {  	[sflag:s23] =	ssyncset.done $0x0  }
0x5b: {  	[sflag:s23] =	ssyncadd.s32 $0xFFFFC000  }
0x5c: {  	[spmem:s2] =	stream.indirect.scatter.add.f32 [tilespmem:s19], [sflag:$0x2], $0x80, s22, s22, $0xb8;
	[tilespmem:$0x1FA00] =	vst v63  }
0x5d: {  	_ =	swait.ge [sflag:s20], $0x4000  }
0x5e: {  	[sflag:s20] =	ssyncset.done $0x0  }
0x5f: {  	s1 =	simm.s32 $0x0;
	[sflag:s20] =	ssyncadd.s32 $0xFFFFC000  }
0x60: {  	v1 =	vld [tilespmem:s1+$0x80];
	_ =	sdelay $0x4  }
0x61: {  	v1 =	vadd.s32 $0x9200, v1  }
0x62: {  	(v2sf) =	vpush v1, $0x0  }
0x63: {  	(v2sf) =	vpush v1, $0x1  }
0x64: {  	(v2sf) =	vpush v1, $0x2  }
0x65: {  	(v2sf) =	vpush v1, $0x3  }
0x66: {  	(v2sf) =	vpush v1, $0x4  }
0x67: {  	(v2sf) =	vpush v1, $0x5  }
0x68: {  	(v2sf) =	vpush v1, $0x6  }
0x69: {  	(v2sf) =	vpush v1, $0x7  }
0x6a: {  	(v2sf) =	vpush v1, $0x8  }
0x6b: {  	(v2sf) =	vpush v1, $0x9  }
0x6c: {  	(v2sf) =	vpush v1, $0xA  }
0x6d: {  	(v2sf) =	vpush v1, $0xB  }
0x6e: {  	(v2sf) =	vpush v1, $0xC  }
0x6f: {  	(v2sf) =	vpush v1, $0xD  }
0x70: {  	(v2sf) =	vpush v1, $0xE  }
0x71: {  	s3 =	spop (v2sf);
	(v2sf) =	vpush v1, $0xF  }
0x72: {  	[tilespmem:s3+$0x0] =	vst.add.f32.msk $0xffff, v0;
	s26 =	spop (v2sf)  }
0x73: {  	[tilespmem:s26+$0x0] =	vst.add.f32.msk $0xffff, v0;
	s1 =	spop (v2sf)  }
0x74: {  	[tilespmem:s1+$0x0] =	vst.add.f32.msk $0xffff, v0;
	s3 =	spop (v2sf)  }
0x75: {  	[tilespmem:s3+$0x0] =	vst.add.f32.msk $0xffff, v0;
	s26 =	spop (v2sf)  }
0x76: {  	[tilespmem:s26+$0x0] =	vst.add.f32.msk $0xffff, v0;
	s1 =	spop (v2sf)  }
0x77: {  	[tilespmem:s1+$0x0] =	vst.add.f32.msk $0xffff, v0;
	s3 =	spop (v2sf)  }
0x78: {  	[tilespmem:s3+$0x0] =	vst.add.f32.msk $0xffff, v0;
	s26 =	spop (v2sf)  }
0x79: {  	[tilespmem:s26+$0x0] =	vst.add.f32.msk $0xffff, v0;
	s1 =	spop (v2sf)  }
0x7a: {  	[tilespmem:s1+$0x0] =	vst.add.f32.msk $0xffff, v0;
	s3 =	spop (v2sf)  }
0x7b: {  	[tilespmem:s3+$0x0] =	vst.add.f32.msk $0xffff, v0;
	s26 =	spop (v2sf)  }
0x7c: {  	[tilespmem:s26+$0x0] =	vst.add.f32.msk $0xffff, v0;
	s1 =	spop (v2sf)  }
0x7d: {  	[tilespmem:s1+$0x0] =	vst.add.f32.msk $0xffff, v0;
	s3 =	spop (v2sf)  }
0x7e: {  	[tilespmem:s3+$0x0] =	vst.add.f32.msk $0xffff, v0;
	s26 =	spop (v2sf)  }
0x7f: {  	[tilespmem:s26+$0x0] =	vst.add.f32.msk $0xffff, v0;
	s1 =	spop (v2sf)  }
0x80: {  	s0 =	simm.s32 $0x40;
	s3 =	simm.s32 $0x80;
	[tilespmem:s1+$0x0] =	vst.add.f32.msk $0xffff, v0;
	s1 =	spop (v2sf)  }
.LBB2_7:
0x81: {  	p0 =	sne.s32 s3, $0x1C0  }
0x82: {  	s26 =	sshra.s32 s0, $0x2;
	[tilespmem:s1+$0x0] =	vst.add.f32.msk $0xffff, v0;
	s0 =	smov.u32 s3;
	s3 =	sadd.s32 $0x40, s3  }
0x83: {  	v1 =	vld [tilespmem:s26+$0x80];
	_ =	sdelay $0x4  }
0x84: {  	v1 =	vadd.s32 $0x9200, v1  }
0x85: {  	(v2sf) =	vpush v1, $0x0  }
0x86: {  	(v2sf) =	vpush v1, $0x1  }
0x87: {  	(v2sf) =	vpush v1, $0x2  }
0x88: {  	(v2sf) =	vpush v1, $0x3  }
0x89: {  	(v2sf) =	vpush v1, $0x4  }
0x8a: {  	(v2sf) =	vpush v1, $0x5  }
0x8b: {  	(v2sf) =	vpush v1, $0x6  }
0x8c: {  	(v2sf) =	vpush v1, $0x7  }
0x8d: {  	(v2sf) =	vpush v1, $0x8  }
0x8e: {  	(v2sf) =	vpush v1, $0x9  }
0x8f: {  	(v2sf) =	vpush v1, $0xA  }
0x90: {  	(v2sf) =	vpush v1, $0xB  }
0x91: {  	(v2sf) =	vpush v1, $0xC  }
0x92: {  	(v2sf) =	vpush v1, $0xD  }
0x93: {  	(v2sf) =	vpush v1, $0xE  }
0x94: {  	s1 =	spop (v2sf);
	(v2sf) =	vpush v1, $0xF  }
0x95: {  	[tilespmem:s1+$0x0] =	vst.add.f32.msk $0xffff, v0;
	s1 =	spop (v2sf)  }
0x96: {  	[tilespmem:s1+$0x0] =	vst.add.f32.msk $0xffff, v0;
	s1 =	spop (v2sf)  }
0x97: {  	[tilespmem:s1+$0x0] =	vst.add.f32.msk $0xffff, v0;
	s1 =	spop (v2sf)  }
0x98: {  	[tilespmem:s1+$0x0] =	vst.add.f32.msk $0xffff, v0;
	s1 =	spop (v2sf)  }
0x99: {  	[tilespmem:s1+$0x0] =	vst.add.f32.msk $0xffff, v0;
	s1 =	spop (v2sf)  }
0x9a: {  	[tilespmem:s1+$0x0] =	vst.add.f32.msk $0xffff, v0;
	s1 =	spop (v2sf)  }
0x9b: {  	[tilespmem:s1+$0x0] =	vst.add.f32.msk $0xffff, v0;
	s1 =	spop (v2sf)  }
0x9c: {  	[tilespmem:s1+$0x0] =	vst.add.f32.msk $0xffff, v0;
	s1 =	spop (v2sf)  }
0x9d: {  	[tilespmem:s1+$0x0] =	vst.add.f32.msk $0xffff, v0;
	s1 =	spop (v2sf)  }
0x9e: {  	[tilespmem:s1+$0x0] =	vst.add.f32.msk $0xffff, v0;
	s1 =	spop (v2sf)  }
.Ltmp2:
0x9f: {  	[tilespmem:s1+$0x0] =	vst.add.f32.msk $0xffff, v0;
	s1 =	spop (v2sf);
	(pc) =	sbr.rel @p0 .LBB2_7-.Ltmp2, $4  }
0xa0: {  	[tilespmem:s1+$0x0] =	vst.add.f32.msk $0xffff, v0;
	s1 =	spop (v2sf)  }
0xa1: {  	[tilespmem:s1+$0x0] =	vst.add.f32.msk $0xffff, v0;
	s1 =	spop (v2sf)  }
0xa2: {  	[tilespmem:s1+$0x0] =	vst.add.f32.msk $0xffff, v0;
	s1 =	spop (v2sf)  }
0xa3: {  	[tilespmem:s1+$0x0] =	vst.add.f32.msk $0xffff, v0;
	s1 =	spop (v2sf)  }
0xa4: {  	s0 =	sshra.s32 s0, $0x2;
	[tilespmem:s1+$0x0] =	vst.add.f32.msk $0xffff, v0  }
0xa5: {  	v1 =	vld [tilespmem:s0+$0x80];
	_ =	sdelay $0x4  }
0xa6: {  	v1 =	vadd.s32 $0x9200, v1  }
0xa7: {  	(v2sf) =	vpush v1, $0x0  }
0xa8: {  	(v2sf) =	vpush v1, $0x1  }
0xa9: {  	(v2sf) =	vpush v1, $0x2  }
0xaa: {  	(v2sf) =	vpush v1, $0x3  }
0xab: {  	(v2sf) =	vpush v1, $0x4  }
0xac: {  	(v2sf) =	vpush v1, $0x5  }
0xad: {  	(v2sf) =	vpush v1, $0x6  }
0xae: {  	(v2sf) =	vpush v1, $0x7  }
0xaf: {  	(v2sf) =	vpush v1, $0x8  }
0xb0: {  	(v2sf) =	vpush v1, $0x9  }
0xb1: {  	(v2sf) =	vpush v1, $0xA  }
0xb2: {  	(v2sf) =	vpush v1, $0xB  }
0xb3: {  	(v2sf) =	vpush v1, $0xC  }
0xb4: {  	(v2sf) =	vpush v1, $0xD  }
0xb5: {  	(v2sf) =	vpush v1, $0xE  }
0xb6: {  	s26 =	spop (v2sf);
	(v2sf) =	vpush v1, $0xF  }
0xb7: {  	[tilespmem:s26+$0x0] =	vst.add.f32.msk $0xffff, v0;
	s1 =	spop (v2sf)  }
0xb8: {  	[tilespmem:s1+$0x0] =	vst.add.f32.msk $0xffff, v0;
	s3 =	spop (v2sf)  }
0xb9: {  	[tilespmem:s3+$0x0] =	vst.add.f32.msk $0xffff, v0;
	s26 =	spop (v2sf)  }
0xba: {  	[tilespmem:s26+$0x0] =	vst.add.f32.msk $0xffff, v0;
	s1 =	spop (v2sf)  }
0xbb: {  	[tilespmem:s1+$0x0] =	vst.add.f32.msk $0xffff, v0;
	s3 =	spop (v2sf)  }
0xbc: {  	[tilespmem:s3+$0x0] =	vst.add.f32.msk $0xffff, v0;
	s26 =	spop (v2sf)  }
0xbd: {  	[tilespmem:s26+$0x0] =	vst.add.f32.msk $0xffff, v0;
	s1 =	spop (v2sf)  }
0xbe: {  	[tilespmem:s1+$0x0] =	vst.add.f32.msk $0xffff, v0;
	s3 =	spop (v2sf)  }
0xbf: {  	[tilespmem:s3+$0x0] =	vst.add.f32.msk $0xffff, v0;
	s26 =	spop (v2sf)  }
0xc0: {  	s31 =	sadd.s32 $0x1, s31;
	[tilespmem:s26+$0x0] =	vst.add.f32.msk $0xffff, v0;
	s1 =	spop (v2sf)  }
0xc1: {  	p0 =	sne.s32 s31, $0x4E;
	[tilespmem:s1+$0x0] =	vst.add.f32.msk $0xffff, v0;
	s3 =	spop (v2sf)  }
.Ltmp3:
0xc2: {  	[tilespmem:s3+$0x0] =	vst.add.f32.msk $0xffff, v0;
	s26 =	spop (v2sf);
	(pc) =	sbr.rel @p0 .LBB2_6-.Ltmp3, $4  }
0xc3: {  	[tilespmem:s26+$0x0] =	vst.add.f32.msk $0xffff, v0;
	s1 =	spop (v2sf)  }
0xc4: {  	[tilespmem:s1+$0x0] =	vst.add.f32.msk $0xffff, v0;
	s3 =	spop (v2sf)  }
0xc5: {  	[tilespmem:s3+$0x0] =	vst.add.f32.msk $0xffff, v0;
	s26 =	spop (v2sf)  }
0xc6: {  	[tilespmem:s26+$0x0] =	vst.add.f32.msk $0xffff, v0  }
0xc7: {  	[tilespmem:s24], [sflag:$0x2] =	stream.linear.gather [hbm4b:s12+s4], $0x10, $0x38;
	[tilespmem:$0x1FA00] =	vst v63  }
0xc8: {  	_ =	swait.ge [sflag:s20], $0x10  }
0xc9: {  	[sflag:s20] =	ssyncset.done $0x0  }
0xca: {  	[sflag:s20] =	ssyncadd.s32 $0xFFFFFFF0  }
0xcb: {  	v1 =	vld [tilespmem:$0x180];
	_ =	sdelay $0x4  }
0xcc: {  	v2 =	vand.u32 $0xFFFF, v1  }
0xcd: {  	v1 =	vshra.s32 v1, $0x10;
	[tilespmem:$0x100] =	vst v2  }
0xce: {  	s0 =	simm.s32 $0x100;
	[tilespmem:$0x180] =	vst v1  }
0xcf: {  	[tilespmem:s19], [sflag:$0x1] =	stream.indirect.gather [hbm4b:s5+s25], $0x80, s0, s25, $0xb8;
	[tilespmem:$0x1FA00] =	vst v63  }
0xd0: {  	_ =	swait.ge [sflag:s23], $0x800  }
0xd1: {  	[sflag:s23] =	ssyncset.done $0x0  }
0xd2: {  	[sflag:s23] =	ssyncadd.s32 $0xFFFFF800  }
0xd3: {  	[spmem:s2] =	stream.indirect.scatter.add.f32 [tilespmem:s19], [sflag:$0x2], $0x80, s24, s25, $0xb8;
	[tilespmem:$0x1FA00] =	vst v63  }
0xd4: {  	v1 =	vadd.s32 $0x9200, v1;
	_ =	swait.ge [sflag:s20], $0x800  }
0xd5: {  	(v2sf) =	vpush v1, $0x1  }
0xd6: {  	(v2sf) =	vpush v1, $0x0  }
0xd7: {  	(v2sf) =	vpush v1, $0x3  }
0xd8: {  	(v2sf) =	vpush v1, $0x2  }
0xd9: {  	(v2sf) =	vpush v1, $0x5  }
0xda: {  	(v2sf) =	vpush v1, $0x4  }
0xdb: {  	(v2sf) =	vpush v1, $0x7  }
0xdc: {  	(v2sf) =	vpush v1, $0x6  }
0xdd: {  	(v2sf) =	vpush v1, $0x9  }
0xde: {  	(v2sf) =	vpush v1, $0x8  }
0xdf: {  	(v2sf) =	vpush v1, $0xB  }
0xe0: {  	(v2sf) =	vpush v1, $0xA  }
0xe1: {  	(v2sf) =	vpush v1, $0xD  }
0xe2: {  	(v2sf) =	vpush v1, $0xC  }
0xe3: {  	(v2sf) =	vpush v1, $0xF  }
0xe4: {  	[sflag:s20] =	ssyncset.done $0x0;
	s26 =	spop (v2sf);
	(v2sf) =	vpush v1, $0xE  }
0xe5: {  	[sflag:s20] =	ssyncadd.s32 $0xFFFFF800;
	s1 =	spop (v2sf)  }
0xe6: {  	[tilespmem:s1+$0x0] =	vst.add.f32.msk $0xffff, v0;
	s30 =	spop (v2sf)  }
0xe7: {  	[tilespmem:s26+$0x0] =	vst.add.f32.msk $0xffff, v0;
	s31 =	spop (v2sf)  }
0xe8: {  	[tilespmem:s31+$0x0] =	vst.add.f32.msk $0xffff, v0;
	s3 =	spop (v2sf)  }
0xe9: {  	[tilespmem:s30+$0x0] =	vst.add.f32.msk $0xffff, v0;
	s26 =	spop (v2sf)  }
0xea: {  	[tilespmem:s26+$0x0] =	vst.add.f32.msk $0xffff, v0;
	s30 =	spop (v2sf)  }
0xeb: {  	[tilespmem:s3+$0x0] =	vst.add.f32.msk $0xffff, v0;
	s31 =	spop (v2sf)  }
0xec: {  	[tilespmem:s31+$0x0] =	vst.add.f32.msk $0xffff, v0;
	s3 =	spop (v2sf)  }
0xed: {  	[tilespmem:s30+$0x0] =	vst.add.f32.msk $0xffff, v0;
	s26 =	spop (v2sf)  }
0xee: {  	[tilespmem:s26+$0x0] =	vst.add.f32.msk $0xffff, v0;
	s30 =	spop (v2sf)  }
0xef: {  	[tilespmem:s3+$0x0] =	vst.add.f32.msk $0xffff, v0;
	s31 =	spop (v2sf)  }
0xf0: {  	[tilespmem:s31+$0x0] =	vst.add.f32.msk $0xffff, v0;
	s3 =	spop (v2sf)  }
0xf1: {  	[tilespmem:s30+$0x0] =	vst.add.f32.msk $0xffff, v0;
	s26 =	spop (v2sf)  }
0xf2: {  	[tilespmem:s26+$0x0] =	vst.add.f32.msk $0xffff, v0;
	s30 =	spop (v2sf)  }
0xf3: {  	[tilespmem:s3+$0x0] =	vst.add.f32.msk $0xffff, v0;
	s31 =	spop (v2sf)  }
0xf4: {  	[tilespmem:s31+$0x0] =	vst.add.f32.msk $0xffff, v0  }
0xf5: {  	[tilespmem:s30+$0x0] =	vst.add.f32.msk $0xffff, v0  }
0xf6: {  	[bflag:$0x0] =	sbarrier.arrive $0xFFFF  }
0xf7: {  	[tilespmem:s21], [sflag:$0x2] =	stream.linear.gather [spmem:s8], $0x5000, $0x38;
	[tilespmem:$0x1FA00] =	vst v63  }
0xf8: {  	_ =	swait.ge [sflag:s20], $0x5000  }
0xf9: {  	[sflag:s20] =	ssyncset.done $0x0  }
0xfa: {  	[sflag:s20] =	ssyncadd.s32 $0xFFFFB000  }
0xfb: {  	[hbm4b:s13+s4] =	stream.linear.scatter [tilespmem:s21], [sflag:$0x2], $0x5000, $0x38;
	[tilespmem:$0x1FA00] =	vst v63  }
0xfc: {  	_ =	swait.ge [sflag:s20], $0x5000  }
0xfd: {  	[sflag:s20] =	ssyncset.done $0x0  }
0xfe: {  	[sflag:s20] =	ssyncadd.s32 $0xFFFFB000  }
0xff: {  	[tilespmem:s21], [sflag:$0x2] =	stream.linear.gather [spmem:s9], $0x5000, $0x38;
	[tilespmem:$0x1FA00] =	vst v63  }
0x100: {  	_ =	swait.ge [sflag:s20], $0x5000  }
0x101: {  	[sflag:s20] =	ssyncset.done $0x0  }
0x102: {  	[sflag:s20] =	ssyncadd.s32 $0xFFFFB000  }
0x103: {  	[hbm4b:s14+s4] =	stream.linear.scatter [tilespmem:s21], [sflag:$0x2], $0x5000, $0x38;
	[tilespmem:$0x1FA00] =	vst v63  }
0x104: {  	_ =	swait.ge [sflag:s20], $0x5000  }
0x105: {  	[sflag:s20] =	ssyncset.done $0x0  }
0x106: {  	[sflag:s20] =	ssyncadd.s32 $0xFFFFB000  }
0x107: {  	[tilespmem:s21], [sflag:$0x2] =	stream.linear.gather [spmem:s10], $0x5000, $0x38;
	[tilespmem:$0x1FA00] =	vst v63  }
0x108: {  	_ =	swait.ge [sflag:s20], $0x5000  }
0x109: {  	[sflag:s20] =	ssyncset.done $0x0  }
0x10a: {  	[sflag:s20] =	ssyncadd.s32 $0xFFFFB000  }
0x10b: {  	[hbm4b:s15+s4] =	stream.linear.scatter [tilespmem:s21], [sflag:$0x2], $0x5000, $0x38;
	[tilespmem:$0x1FA00] =	vst v63  }
0x10c: {  	_ =	swait.ge [sflag:s20], $0x5000  }
0x10d: {  	[sflag:s20] =	ssyncset.done $0x0  }
0x10e: {  	[sflag:s20] =	ssyncadd.s32 $0xFFFFB000  }
0x10f: {  	[tilespmem:s21], [sflag:$0x2] =	stream.linear.gather [spmem:s11], $0x5000, $0x38;
	[tilespmem:$0x1FA00] =	vst v63  }
0x110: {  	_ =	swait.ge [sflag:s20], $0x5000  }
0x111: {  	[sflag:s20] =	ssyncset.done $0x0  }
0x112: {  	[sflag:s20] =	ssyncadd.s32 $0xFFFFB000  }
0x113: {  	[hbm4b:s16+s4] =	stream.linear.scatter [tilespmem:s21], [sflag:$0x2], $0x5000, $0x38;
	[tilespmem:$0x1FA00] =	vst v63  }
0x114: {  	s29 =	sadd.s32 $0x1, s29;
	_ =	swait.ge [sflag:s20], $0x5000  }
0x115: {  	p0 =	sne.s32 s29, s18;
	[sflag:s20] =	ssyncset.done $0x0  }
.Ltmp4:
0x116: {  	[sflag:s20] =	ssyncadd.s32 $0xFFFFB000;
	(pc) =	sbr.rel @p0 .LBB2_1-.Ltmp4, $4  }
0x117: {  	[hbm4b:s17+s4] =	stream.linear.scatter [tilespmem:s28], [sflag:$0x2], $0x2800, $0x38;
	[tilespmem:$0x1FA00] =	vst v63  }
0x118: {  	_ =	swait.ge [sflag:s20], $0x2800  }
0x119: {  	[sflag:s20] =	ssyncset.done $0x0  }
0x11a: {  	[sflag:s20] =	ssyncadd.s32 $0xFFFFD800  }
0x11b: {  	_ =	sfence.sel $0x180000  }
0x11c: {  	[bflag:$0x0] =	sbarrier.arrive $0xFFFF  }
0x11d: {  	_ =	strace $0x90000047  }
0x11e: {  	s0 =	stileid.u32;
	[bflag:$0x2] =	sbarrier.arrive $0xFFFF  }
0x11f: {  	p0 =	sne.s32 s0, $0x0;
	s0 =	rddreg [dreg:$0x3]  }
0x120: {  	s0 =	sadd.s32 @!p0 $0x100000, s0  }
0x121: {  	[sflag:s0] =	ssyncadd.tile.s32 @!p0 $0x1;
	_ =	shalt  }
.Lfunc_end2:
_tile_overlayer_lowered:
.L_overlay_start_2:
0x122: {  	(tag) =	ssettag $0x2  }
0x123: {  	s0 =	rddreg [dreg:$0x0];
	s2 =	stileid.u32  }
0x124: {  	s1 =	rddreg [dreg:$0x1];
	p0 =	sne.s32 s2, $0x0  }
0x125: {  	s3 =	rddreg [dreg:$0x2];
	[bflag:$0x3] =	sbarrier.arrive $0xFFFF;
	s2 =	simm.s32 @!p0 $0x1C02  }
0x126: {  	[timem:s3], [sflag:s2] =	dma.local @!p0 [hbm:s0], s1  }
0x127: {  	s0 =	simm.s32 @!p0 $0x2  }
0x128: {  	_ =	swait.ge @!p0 [sflag:s0], s1  }
0x129: {  	s1 =	ssub.s32 @!p0 $0x0, s1;
	[sflag:s0] =	ssyncset.done @!p0 $0x0  }
0x12a: {  	[sflag:s0] =	ssyncadd.s32 @!p0 s1  }
0x12b: {  	[bflag:$0x3] =	sbarrier.arrive $0xFFFF  }
0x12c: {  	_ =	shalt  }

</sc_bundles>
